<compile_context>
chip_gen: v7x
topology: tpu7x:2x2x1
jax: 0.10.2.dev20260603
libtpu: 0.0.44.dev20260713+nightly
codegen_flags: <defaults>
</compile_context>

<pallas_src>
import functools

import jax
import jax.numpy as jnp
from jax import lax
from jax.experimental import pallas as pl
from jax.experimental.pallas import tpu as pltpu
from jax.experimental.pallas import tpu_sc as plsc

N_NODES_K = 10000
N_EDGES_K = 320000
D_FEAT_K = 128
SCALE = 1.0 / (32.0 ** 0.5)

NUM_CORES = 2
NUM_SUBCORES = 16
NUM_TILES = NUM_CORES * NUM_SUBCORES
WINDOW = 128
N_WINDOWS = N_EDGES_K // WINDOW
MAX_W_PER_TILE = -(-N_WINDOWS // NUM_TILES)
NBUF = 2

ROWS_PER_TILE = 624
ROWS_TAIL = N_NODES_K - NUM_SUBCORES * ROWS_PER_TILE
TAIL_ROW0 = NUM_SUBCORES * ROWS_PER_TILE


def _sc_scatter_partials(x, idx2d):
    mesh = plsc.VectorSubcoreMesh(core_axis_name="c", subcore_axis_name="s")

    @functools.partial(
        pl.kernel,
        out_type=[jax.ShapeDtypeStruct((N_NODES_K, D_FEAT_K), jnp.float32),
                  jax.ShapeDtypeStruct((N_NODES_K, D_FEAT_K), jnp.float32)],
        mesh=mesh,
        scratch_types=[
            pltpu.VMEM_SHARED((N_NODES_K, D_FEAT_K), jnp.float32),
            pltpu.VMEM((NBUF, WINDOW), jnp.int32),
            pltpu.VMEM((WINDOW, D_FEAT_K), jnp.float32),
            pltpu.VMEM((WINDOW, D_FEAT_K), jnp.float32),
            pltpu.SemaphoreType.DMA((NBUF,)),
            pltpu.SemaphoreType.DMA,
        ],
    )
    def k(x_hbm, idx_hbm, out0_hbm, out1_hbm, acc_sp, idx_v, x_v0, x_v1,
          ld_sem, z_sem):
        c = lax.axis_index("c")
        s = lax.axis_index("s")
        wid = s * NUM_CORES + c
        xs = [x_v0, x_v1]

        @pl.loop(0, WINDOW)
        def _(i):
            for j in range(0, D_FEAT_K, 16):
                x_v1.at[i, pl.ds(j, 16)][...] = jnp.zeros((16,), jnp.float32)

        row0 = s * ROWS_PER_TILE
        n_full = ROWS_PER_TILE // WINDOW
        for i in range(n_full):
            pltpu.async_copy(x_v1, acc_sp.at[pl.ds(row0 + i * WINDOW, WINDOW)],
                             z_sem)
        rem = ROWS_PER_TILE - n_full * WINDOW
        if rem:
            pltpu.async_copy(x_v1.at[pl.ds(0, rem)],
                             acc_sp.at[pl.ds(row0 + ROWS_PER_TILE - rem, rem)],
                             z_sem)

        @pl.when(s == 0)
        def _():
            pltpu.async_copy(x_v1.at[pl.ds(0, ROWS_TAIL)],
                             acc_sp.at[pl.ds(TAIL_ROW0, ROWS_TAIL)], z_sem)

        def g_of(w):
            return w * NUM_TILES + wid

        def start_load_u(w, b):
            g = g_of(w)
            pltpu.async_copy(idx_hbm.at[g], idx_v.at[b], ld_sem.at[b])
            pltpu.async_copy(x_hbm.at[pl.ds(g * WINDOW, WINDOW)],
                             xs[b], ld_sem.at[b])

        def wait_load_u(w, b):
            pltpu.make_async_copy(idx_hbm.at[0], idx_v.at[b],
                                  ld_sem.at[b]).wait()
            pltpu.make_async_copy(x_hbm.at[pl.ds(0, WINDOW)], xs[b],
                                  ld_sem.at[b]).wait()

        def sync_scatter_u(w, b):
            pltpu.sync_copy(xs[b], acc_sp.at[idx_v.at[b]], add=True)

        def start_load(w, b):
            @pl.when(g_of(w) < N_WINDOWS)
            def _():
                start_load_u(w, b)

        def wait_load(w, b):
            @pl.when(g_of(w) < N_WINDOWS)
            def _():
                wait_load_u(w, b)

        def sync_scatter(w, b):
            @pl.when(g_of(w) < N_WINDOWS)
            def _():
                sync_scatter_u(w, b)

        start_load(0, 0)

        for i in range(n_full):
            pltpu.make_async_copy(x_v1, acc_sp.at[pl.ds(0, WINDOW)],
                                  z_sem).wait()
        if rem:
            pltpu.make_async_copy(x_v1.at[pl.ds(0, rem)],
                                  acc_sp.at[pl.ds(0, rem)], z_sem).wait()

        @pl.when(s == 0)
        def _():
            pltpu.make_async_copy(x_v1.at[pl.ds(0, ROWS_TAIL)],
                                  acc_sp.at[pl.ds(0, ROWS_TAIL)], z_sem).wait()

        plsc.subcore_barrier()

        @pl.loop(0, 76, step=NBUF)
        def _(k0):
            for b in range(NBUF):
                w = k0 + b
                nb = (b + 1) % NBUF
                start_load_u(w + 1, nb)
                wait_load_u(w, b)
                sync_scatter_u(w, b)

        start_load_u(77, 1)
        wait_load_u(76, 0)
        sync_scatter_u(76, 0)
        start_load(78, 0)
        wait_load_u(77, 1)
        sync_scatter_u(77, 1)
        wait_load(78, 0)
        sync_scatter(78, 0)

        plsc.subcore_barrier()
        for cc, out_hbm in ((0, out0_hbm), (1, out1_hbm)):
            @pl.when(c == cc)
            def _(out_hbm=out_hbm):
                pltpu.sync_copy(acc_sp.at[pl.ds(row0, ROWS_PER_TILE)],
                                out_hbm.at[pl.ds(row0, ROWS_PER_TILE)])

                @pl.when(s == 0)
                def _():
                    pltpu.sync_copy(acc_sp.at[pl.ds(TAIL_ROW0, ROWS_TAIL)],
                                    out_hbm.at[pl.ds(TAIL_ROW0, ROWS_TAIL)])

    return k(x, idx2d)


def _tc_combine_body(p0_ref, p1_ref, o_ref):
    o_ref[...] = (p0_ref[...] + p1_ref[...]) * SCALE


def _tc_combine(p0, p1):
    blk = 10000
    spec = pl.BlockSpec((blk, D_FEAT_K), lambda i: (i, 0))
    return pl.pallas_call(
        _tc_combine_body,
        grid=(N_NODES_K // blk,),
        in_specs=[spec, spec],
        out_specs=spec,
        out_shape=jax.ShapeDtypeStruct((N_NODES_K, D_FEAT_K), jnp.float32),
    )(p0, p1)


@jax.jit
def kernel(x, index):
    idx2d = index.astype(jnp.int32).reshape(N_WINDOWS, WINDOW)
    p0, p1 = _sc_scatter_partials(x, idx2d)
    return _tc_combine(p0, p1)

# --- scband reference (transcript-rebuilt; emitter-appended) ---
"""Pipeline reference for scband-scaled-scatter-16183436771997 (READ-ONLY COPY).

The authoritative reference and input builder live on the scoring server;
editing this copy changes nothing except your own understanding.
"""

import jax, jax.numpy as jnp
import numpy as np

N_NODES = 10000
N_EDGES = 320000
D_FEAT = 128
AVG_AGGREGATE_NUM = 32.0


def setup_inputs(seed: int = 0) -> dict:
    key = jax.random.key(seed)
    k1, k2 = jax.random.split(key)
    x = jax.random.normal(k1, (N_EDGES, D_FEAT), dtype=jnp.float32)
    index = jax.random.randint(k2, (N_EDGES,), 0, N_NODES, dtype=jnp.int64 if jax.config.jax_enable_x64 else jnp.int32)
    return {"x": x, "index": index}


def reference(x, index):
    # scatter-add of edge messages x into node buckets given by index,
    # then scale by 1/sqrt(avg_aggregate_num)
    out = jax.ops.segment_sum(x, index, num_segments=N_NODES)
    out = out / (AVG_AGGREGATE_NUM ** 0.5)
    return out

if __name__ == "__main__":
    import jax
    _d = setup_inputs()
    print(jax.jit(kernel)(*tuple(_d.values())))

</pallas_src>

<mosaic_0001>
#map = affine_map<(d0, d1) -> (0, 0)>
module attributes {stable_mosaic.version = 14 : i64} {
  func.func @k(%arg0: i32, %arg1: i32, %arg2: memref<320000x128xf32, #tpu.memory_space<hbm>>, %arg3: memref<2500x128xi32, #tpu.memory_space<hbm>>, %arg4: memref<10000x128xf32, #tpu.memory_space<hbm>>, %arg5: memref<10000x128xf32, #tpu.memory_space<hbm>>, %arg6: memref<10000x128xf32, #tpu.memory_space<vmem_shared>>, %arg7: memref<2x128xi32, #tpu.memory_space<vmem>>, %arg8: memref<128x128xf32, #tpu.memory_space<vmem>>, %arg9: memref<128x128xf32, #tpu.memory_space<vmem>>, %arg10: memref<2x!tpu.dma_semaphore, #tpu.memory_space<semaphore_mem>>, %arg11: memref<!tpu.dma_semaphore, #tpu.memory_space<semaphore_mem>>) attributes {dimension_semantics = [#tpu.dimension_semantics<core_parallel>, #tpu.dimension_semantics<subcore_parallel>], iteration_bounds = array<i64: 2, 16>, scalar_prefetch = 0 : i64, scratch_operands = 6 : i64, tpu.core_type = #tpu.core_type<sc_vector_subcore>, window_params = [{transform_indices = #map}, {transform_indices = #map}, {transform_indices = #map}, {transform_indices = #map}]} {
    %mul3A = arith.constant 2 : i32
    %mul3A_0 = arith.muli %arg1, %mul3A : i32
    %add3A = arith.addi %mul3A_0, %arg0 : i32
    %scan3A = arith.constant 0 : i32
    %scan3A_1 = arith.constant 128 : i32
    %scan3A_2 = arith.addi %scan3A, %scan3A_1 : i32
    %scan3A_3 = arith.constant 1 : i32
    scf.for %scan3A_208 = %scan3A to %scan3A_2 step %scan3A_3  : i32 {
      %mul3A_209 = arith.constant 1 : i32
      %mul3A_210 = arith.muli %scan3A_208, %mul3A_209 : i32
      %add3A_211 = arith.constant 0 : i32
      %add3A_212 = arith.addi %add3A_211, %mul3A_210 : i32
      %broadcast_in_dim3A = arith.constant 0.000000e+00 : f32
      %broadcast_in_dim3A_213 = vector.broadcast %broadcast_in_dim3A : f32 to vector<16xf32>
      %swap3A = arith.index_cast %add3A_212 : i32 to index
      %swap3A_214 = arith.constant 0 : index
      %swap3A_215 = tpu.vector_load %arg9[%swap3A, %swap3A_214] {strides = array<i32>} : memref<128x128xf32, #tpu.memory_space<vmem>>, vector<1x16xf32>,
      %swap3A_216 = vector.shape_cast %swap3A_215 : vector<1x16xf32> to vector<16xf32>
      %swap3A_217 = vector.shape_cast %broadcast_in_dim3A_213 : vector<16xf32> to vector<1x16xf32>
      tpu.vector_store %arg9[%swap3A, %swap3A_214], %swap3A_217 {strides = array<i32>} : memref<128x128xf32, #tpu.memory_space<vmem>>, vector<1x16xf32>,
      %broadcast_in_dim3A_218 = arith.constant 0.000000e+00 : f32
      %broadcast_in_dim3A_219 = vector.broadcast %broadcast_in_dim3A_218 : f32 to vector<16xf32>
      %swap3A_220 = arith.index_cast %add3A_212 : i32 to index
      %swap3A_221 = arith.constant 16 : index
      %swap3A_222 = tpu.vector_load %arg9[%swap3A_220, %swap3A_221] {strides = array<i32>} : memref<128x128xf32, #tpu.memory_space<vmem>>, vector<1x16xf32>,
      %swap3A_223 = vector.shape_cast %swap3A_222 : vector<1x16xf32> to vector<16xf32>
      %swap3A_224 = vector.shape_cast %broadcast_in_dim3A_219 : vector<16xf32> to vector<1x16xf32>
      tpu.vector_store %arg9[%swap3A_220, %swap3A_221], %swap3A_224 {strides = array<i32>} : memref<128x128xf32, #tpu.memory_space<vmem>>, vector<1x16xf32>,
      %broadcast_in_dim3A_225 = arith.constant 0.000000e+00 : f32
      %broadcast_in_dim3A_226 = vector.broadcast %broadcast_in_dim3A_225 : f32 to vector<16xf32>
      %swap3A_227 = arith.index_cast %add3A_212 : i32 to index
      %swap3A_228 = arith.constant 32 : index
      %swap3A_229 = tpu.vector_load %arg9[%swap3A_227, %swap3A_228] {strides = array<i32>} : memref<128x128xf32, #tpu.memory_space<vmem>>, vector<1x16xf32>,
      %swap3A_230 = vector.shape_cast %swap3A_229 : vector<1x16xf32> to vector<16xf32>
      %swap3A_231 = vector.shape_cast %broadcast_in_dim3A_226 : vector<16xf32> to vector<1x16xf32>
      tpu.vector_store %arg9[%swap3A_227, %swap3A_228], %swap3A_231 {strides = array<i32>} : memref<128x128xf32, #tpu.memory_space<vmem>>, vector<1x16xf32>,
      %broadcast_in_dim3A_232 = arith.constant 0.000000e+00 : f32
      %broadcast_in_dim3A_233 = vector.broadcast %broadcast_in_dim3A_232 : f32 to vector<16xf32>
      %swap3A_234 = arith.index_cast %add3A_212 : i32 to index
      %swap3A_235 = arith.constant 48 : index
      %swap3A_236 = tpu.vector_load %arg9[%swap3A_234, %swap3A_235] {strides = array<i32>} : memref<128x128xf32, #tpu.memory_space<vmem>>, vector<1x16xf32>,
      %swap3A_237 = vector.shape_cast %swap3A_236 : vector<1x16xf32> to vector<16xf32>
      %swap3A_238 = vector.shape_cast %broadcast_in_dim3A_233 : vector<16xf32> to vector<1x16xf32>
      tpu.vector_store %arg9[%swap3A_234, %swap3A_235], %swap3A_238 {strides = array<i32>} : memref<128x128xf32, #tpu.memory_space<vmem>>, vector<1x16xf32>,
      %broadcast_in_dim3A_239 = arith.constant 0.000000e+00 : f32
      %broadcast_in_dim3A_240 = vector.broadcast %broadcast_in_dim3A_239 : f32 to vector<16xf32>
      %swap3A_241 = arith.index_cast %add3A_212 : i32 to index
      %swap3A_242 = arith.constant 64 : index
      %swap3A_243 = tpu.vector_load %arg9[%swap3A_241, %swap3A_242] {strides = array<i32>} : memref<128x128xf32, #tpu.memory_space<vmem>>, vector<1x16xf32>,
      %swap3A_244 = vector.shape_cast %swap3A_243 : vector<1x16xf32> to vector<16xf32>
      %swap3A_245 = vector.shape_cast %broadcast_in_dim3A_240 : vector<16xf32> to vector<1x16xf32>
      tpu.vector_store %arg9[%swap3A_241, %swap3A_242], %swap3A_245 {strides = array<i32>} : memref<128x128xf32, #tpu.memory_space<vmem>>, vector<1x16xf32>,
      %broadcast_in_dim3A_246 = arith.constant 0.000000e+00 : f32
      %broadcast_in_dim3A_247 = vector.broadcast %broadcast_in_dim3A_246 : f32 to vector<16xf32>
      %swap3A_248 = arith.index_cast %add3A_212 : i32 to index
      %swap3A_249 = arith.constant 80 : index
      %swap3A_250 = tpu.vector_load %arg9[%swap3A_248, %swap3A_249] {strides = array<i32>} : memref<128x128xf32, #tpu.memory_space<vmem>>, vector<1x16xf32>,
      %swap3A_251 = vector.shape_cast %swap3A_250 : vector<1x16xf32> to vector<16xf32>
      %swap3A_252 = vector.shape_cast %broadcast_in_dim3A_247 : vector<16xf32> to vector<1x16xf32>
      tpu.vector_store %arg9[%swap3A_248, %swap3A_249], %swap3A_252 {strides = array<i32>} : memref<128x128xf32, #tpu.memory_space<vmem>>, vector<1x16xf32>,
      %broadcast_in_dim3A_253 = arith.constant 0.000000e+00 : f32
      %broadcast_in_dim3A_254 = vector.broadcast %broadcast_in_dim3A_253 : f32 to vector<16xf32>
      %swap3A_255 = arith.index_cast %add3A_212 : i32 to index
      %swap3A_256 = arith.constant 96 : index
      %swap3A_257 = tpu.vector_load %arg9[%swap3A_255, %swap3A_256] {strides = array<i32>} : memref<128x128xf32, #tpu.memory_space<vmem>>, vector<1x16xf32>,
      %swap3A_258 = vector.shape_cast %swap3A_257 : vector<1x16xf32> to vector<16xf32>
      %swap3A_259 = vector.shape_cast %broadcast_in_dim3A_254 : vector<16xf32> to vector<1x16xf32>
      tpu.vector_store %arg9[%swap3A_255, %swap3A_256], %swap3A_259 {strides = array<i32>} : memref<128x128xf32, #tpu.memory_space<vmem>>, vector<1x16xf32>,
      %broadcast_in_dim3A_260 = arith.constant 0.000000e+00 : f32
      %broadcast_in_dim3A_261 = vector.broadcast %broadcast_in_dim3A_260 : f32 to vector<16xf32>
      %swap3A_262 = arith.index_cast %add3A_212 : i32 to index
      %swap3A_263 = arith.constant 112 : index
      %swap3A_264 = tpu.vector_load %arg9[%swap3A_262, %swap3A_263] {strides = array<i32>} : memref<128x128xf32, #tpu.memory_space<vmem>>, vector<1x16xf32>,
      %swap3A_265 = vector.shape_cast %swap3A_264 : vector<1x16xf32> to vector<16xf32>
      %swap3A_266 = vector.shape_cast %broadcast_in_dim3A_261 : vector<16xf32> to vector<1x16xf32>
      tpu.vector_store %arg9[%swap3A_262, %swap3A_263], %swap3A_266 {strides = array<i32>} : memref<128x128xf32, #tpu.memory_space<vmem>>, vector<1x16xf32>,
    }
    %scan3A_4 = arith.constant 128 : i32
    %mul3A_5 = arith.constant 624 : i32
    %mul3A_6 = arith.muli %arg1, %mul3A_5 : i32
    %add3A_7 = arith.constant 0 : i32
    %add3A_8 = arith.addi %mul3A_6, %add3A_7 : i32
    %dma_start3A = arith.constant 0 : i32
    %dma_start3A_9 = tpu.memref_slice %arg6[%add3A_8, %dma_start3A] : memref<10000x128xf32, #tpu.memory_space<vmem_shared>> -> memref<128x128xf32, #tpu.memory_space<vmem_shared>>
    %dma_start3A_10 = arith.constant 0 : i32
    %dma_start3A_11 = tpu.memref_slice %arg6[%add3A_8, %dma_start3A_10] : memref<10000x128xf32, #tpu.memory_space<vmem_shared>> -> memref<128x128xf32, #tpu.memory_space<vmem_shared>>
    tpu.enqueue_dma source(%arg9 : memref<128x128xf32, #tpu.memory_space<vmem>>) target(%dma_start3A_11 : memref<128x128xf32, #tpu.memory_space<vmem_shared>>) target_semaphore(%arg11 : memref<!tpu.dma_semaphore, #tpu.memory_space<semaphore_mem>>)
    %add3A_12 = arith.constant 128 : i32
    %add3A_13 = arith.addi %mul3A_6, %add3A_12 : i32
    %dma_start3A_14 = arith.constant 0 : i32
    %dma_start3A_15 = tpu.memref_slice %arg6[%add3A_13, %dma_start3A_14] : memref<10000x128xf32, #tpu.memory_space<vmem_shared>> -> memref<128x128xf32, #tpu.memory_space<vmem_shared>>
    %dma_start3A_16 = arith.constant 0 : i32
    %dma_start3A_17 = tpu.memref_slice %arg6[%add3A_13, %dma_start3A_16] : memref<10000x128xf32, #tpu.memory_space<vmem_shared>> -> memref<128x128xf32, #tpu.memory_space<vmem_shared>>
    tpu.enqueue_dma source(%arg9 : memref<128x128xf32, #tpu.memory_space<vmem>>) target(%dma_start3A_17 : memref<128x128xf32, #tpu.memory_space<vmem_shared>>) target_semaphore(%arg11 : memref<!tpu.dma_semaphore, #tpu.memory_space<semaphore_mem>>)
    %add3A_18 = arith.constant 256 : i32
    %add3A_19 = arith.addi %mul3A_6, %add3A_18 : i32
    %dma_start3A_20 = arith.constant 0 : i32
    %dma_start3A_21 = tpu.memref_slice %arg6[%add3A_19, %dma_start3A_20] : memref<10000x128xf32, #tpu.memory_space<vmem_shared>> -> memref<128x128xf32, #tpu.memory_space<vmem_shared>>
    %dma_start3A_22 = arith.constant 0 : i32
    %dma_start3A_23 = tpu.memref_slice %arg6[%add3A_19, %dma_start3A_22] : memref<10000x128xf32, #tpu.memory_space<vmem_shared>> -> memref<128x128xf32, #tpu.memory_space<vmem_shared>>
    tpu.enqueue_dma source(%arg9 : memref<128x128xf32, #tpu.memory_space<vmem>>) target(%dma_start3A_23 : memref<128x128xf32, #tpu.memory_space<vmem_shared>>) target_semaphore(%arg11 : memref<!tpu.dma_semaphore, #tpu.memory_space<semaphore_mem>>)
    %add3A_24 = arith.constant 384 : i32
    %add3A_25 = arith.addi %mul3A_6, %add3A_24 : i32
    %dma_start3A_26 = arith.constant 0 : i32
    %dma_start3A_27 = tpu.memref_slice %arg6[%add3A_25, %dma_start3A_26] : memref<10000x128xf32, #tpu.memory_space<vmem_shared>> -> memref<128x128xf32, #tpu.memory_space<vmem_shared>>
    %dma_start3A_28 = arith.constant 0 : i32
    %dma_start3A_29 = tpu.memref_slice %arg6[%add3A_25, %dma_start3A_28] : memref<10000x128xf32, #tpu.memory_space<vmem_shared>> -> memref<128x128xf32, #tpu.memory_space<vmem_shared>>
    tpu.enqueue_dma source(%arg9 : memref<128x128xf32, #tpu.memory_space<vmem>>) target(%dma_start3A_29 : memref<128x128xf32, #tpu.memory_space<vmem_shared>>) target_semaphore(%arg11 : memref<!tpu.dma_semaphore, #tpu.memory_space<semaphore_mem>>)
    %add3A_30 = arith.constant 624 : i32
    %add3A_31 = arith.addi %mul3A_6, %add3A_30 : i32
    %sub3A = arith.constant 112 : i32
    %sub3A_32 = arith.subi %add3A_31, %sub3A : i32
    %dma_start3A_33 = arith.constant 0 : i32
    %dma_start3A_34 = arith.constant 0 : i32
    %dma_start3A_35 = tpu.memref_slice %arg9[%dma_start3A_33, %dma_start3A_34] : memref<128x128xf32, #tpu.memory_space<vmem>> -> memref<112x128xf32, #tpu.memory_space<vmem>>
    %dma_start3A_36 = arith.constant 0 : i32
    %dma_start3A_37 = tpu.memref_slice %arg6[%sub3A_32, %dma_start3A_36] : memref<10000x128xf32, #tpu.memory_space<vmem_shared>> -> memref<112x128xf32, #tpu.memory_space<vmem_shared>>
    %dma_start3A_38 = arith.constant 0 : i32
    %dma_start3A_39 = tpu.memref_slice %arg6[%sub3A_32, %dma_start3A_38] : memref<10000x128xf32, #tpu.memory_space<vmem_shared>> -> memref<112x128xf32, #tpu.memory_space<vmem_shared>>
    %dma_start3A_40 = arith.constant 0 : i32
    %dma_start3A_41 = arith.constant 0 : i32
    %dma_start3A_42 = tpu.memref_slice %arg9[%dma_start3A_40, %dma_start3A_41] : memref<128x128xf32, #tpu.memory_space<vmem>> -> memref<112x128xf32, #tpu.memory_space<vmem>>
    tpu.enqueue_dma source(%dma_start3A_42 : memref<112x128xf32, #tpu.memory_space<vmem>>) target(%dma_start3A_39 : memref<112x128xf32, #tpu.memory_space<vmem_shared>>) target_semaphore(%arg11 : memref<!tpu.dma_semaphore, #tpu.memory_space<semaphore_mem>>)
    %eq3A = arith.constant 0 : i32
    %eq3A_43 = arith.cmpi eq, %arg1, %eq3A : i32
    %convert_element_type3A = arith.extui %eq3A_43 : i1 to i32
    %cond3A = arith.constant 0 : i32
    %cond3A_44 = arith.cmpi ne, %convert_element_type3A, %cond3A : i32
    scf.if %cond3A_44 {
      %dma_start3A_208 = arith.constant 0 : i32
      %dma_start3A_209 = arith.constant 0 : i32
      %dma_start3A_210 = tpu.memref_slice %arg9[%dma_start3A_208, %dma_start3A_209] : memref<128x128xf32, #tpu.memory_space<vmem>> -> memref<16x128xf32, #tpu.memory_space<vmem>>
      %dma_start3A_211 = arith.constant 9984 : i32
      %dma_start3A_212 = arith.constant 0 : i32
      %dma_start3A_213 = tpu.memref_slice %arg6[%dma_start3A_211, %dma_start3A_212] : memref<10000x128xf32, #tpu.memory_space<vmem_shared>> -> memref<16x128xf32, #tpu.memory_space<vmem_shared>>
      %dma_start3A_214 = arith.constant 9984 : i32
      %dma_start3A_215 = arith.constant 0 : i32
      %dma_start3A_216 = tpu.memref_slice %arg6[%dma_start3A_214, %dma_start3A_215] : memref<10000x128xf32, #tpu.memory_space<vmem_shared>> -> memref<16x128xf32, #tpu.memory_space<vmem_shared>>
      %dma_start3A_217 = arith.constant 0 : i32
      %dma_start3A_218 = arith.constant 0 : i32
      %dma_start3A_219 = tpu.memref_slice %arg9[%dma_start3A_217, %dma_start3A_218] : memref<128x128xf32, #tpu.memory_space<vmem>> -> memref<16x128xf32, #tpu.memory_space<vmem>>
      tpu.enqueue_dma source(%dma_start3A_219 : memref<16x128xf32, #tpu.memory_space<vmem>>) target(%dma_start3A_216 : memref<16x128xf32, #tpu.memory_space<vmem_shared>>) target_semaphore(%arg11 : memref<!tpu.dma_semaphore, #tpu.memory_space<semaphore_mem>>)
    } else {
    }
    %add3A_45 = arith.constant 0 : i32
    %add3A_46 = arith.addi %add3A_45, %add3A : i32
    %lt3A = arith.constant 2500 : i32
    %lt3A_47 = arith.cmpi slt, %add3A_46, %lt3A : i32
    %convert_element_type3A_48 = arith.extui %lt3A_47 : i1 to i32
    %cond3A_49 = arith.constant 0 : i32
    %cond3A_50 = arith.cmpi ne, %convert_element_type3A_48, %cond3A_49 : i32
    scf.if %cond3A_50 {
      %add3A_208 = arith.constant 0 : i32
      %add3A_209 = arith.addi %add3A_208, %add3A : i32
      %dma_start3A_210 = arith.constant 0 : i32
      %dma_start3A_211 = arith.constant 0 : i32
      %dma_start3A_212 = arith.constant 0 : i32
      %dma_start3A_213 = tpu.memref_slice %arg7[%dma_start3A_210, %dma_start3A_212] : memref<2x128xi32, #tpu.memory_space<vmem>> -> memref<1x128xi32, #tpu.memory_space<vmem>>
      %dma_start3A_214 = tpu.memref_squeeze %dma_start3A_213 : memref<1x128xi32, #tpu.memory_space<vmem>> -> memref<128xi32, #tpu.memory_space<vmem>>
      %dma_start3A_215 = arith.constant 0 : i32
      %dma_start3A_216 = tpu.memref_slice %arg3[%add3A_209, %dma_start3A_215] : memref<2500x128xi32, #tpu.memory_space<hbm>> -> memref<1x128xi32, #tpu.memory_space<hbm>>
      %dma_start3A_217 = tpu.memref_squeeze %dma_start3A_216 : memref<1x128xi32, #tpu.memory_space<hbm>> -> memref<128xi32, #tpu.memory_space<hbm>>
      %dma_start3A_218 = tpu.memref_slice %arg10[%dma_start3A_211] : memref<2x!tpu.dma_semaphore, #tpu.memory_space<semaphore_mem>> -> memref<1x!tpu.dma_semaphore, #tpu.memory_space<semaphore_mem>>
      %dma_start3A_219 = tpu.memref_squeeze %dma_start3A_218 : memref<1x!tpu.dma_semaphore, #tpu.memory_space<semaphore_mem>> -> memref<!tpu.dma_semaphore, #tpu.memory_space<semaphore_mem>>
      %dma_start3A_220 = arith.constant 0 : i32
      %dma_start3A_221 = tpu.memref_slice %arg7[%dma_start3A_210, %dma_start3A_220] : memref<2x128xi32, #tpu.memory_space<vmem>> -> memref<1x128xi32, #tpu.memory_space<vmem>>
      %dma_start3A_222 = tpu.memref_squeeze %dma_start3A_221 : memref<1x128xi32, #tpu.memory_space<vmem>> -> memref<128xi32, #tpu.memory_space<vmem>>
      %dma_start3A_223 = arith.constant 0 : i32
      %dma_start3A_224 = tpu.memref_slice %arg3[%add3A_209, %dma_start3A_223] : memref<2500x128xi32, #tpu.memory_space<hbm>> -> memref<1x128xi32, #tpu.memory_space<hbm>>
      %dma_start3A_225 = tpu.memref_squeeze %dma_start3A_224 : memref<1x128xi32, #tpu.memory_space<hbm>> -> memref<128xi32, #tpu.memory_space<hbm>>
      tpu.enqueue_dma source(%dma_start3A_225 : memref<128xi32, #tpu.memory_space<hbm>>) target(%dma_start3A_222 : memref<128xi32, #tpu.memory_space<vmem>>) target_semaphore(%dma_start3A_219 : memref<!tpu.dma_semaphore, #tpu.memory_space<semaphore_mem>>)
      %mul3A_226 = arith.constant 128 : i32
      %mul3A_227 = arith.muli %add3A_209, %mul3A_226 : i32
      %dma_start3A_228 = arith.constant 0 : i32
      %dma_start3A_229 = arith.constant 0 : i32
      %dma_start3A_230 = tpu.memref_slice %arg2[%mul3A_227, %dma_start3A_229] : memref<320000x128xf32, #tpu.memory_space<hbm>> -> memref<128x128xf32, #tpu.memory_space<hbm>>
      %dma_start3A_231 = tpu.memref_slice %arg10[%dma_start3A_228] : memref<2x!tpu.dma_semaphore, #tpu.memory_space<semaphore_mem>> -> memref<1x!tpu.dma_semaphore, #tpu.memory_space<semaphore_mem>>
      %dma_start3A_232 = tpu.memref_squeeze %dma_start3A_231 : memref<1x!tpu.dma_semaphore, #tpu.memory_space<semaphore_mem>> -> memref<!tpu.dma_semaphore, #tpu.memory_space<semaphore_mem>>
      %dma_start3A_233 = arith.constant 0 : i32
      %dma_start3A_234 = tpu.memref_slice %arg2[%mul3A_227, %dma_start3A_233] : memref<320000x128xf32, #tpu.memory_space<hbm>> -> memref<128x128xf32, #tpu.memory_space<hbm>>
      tpu.enqueue_dma source(%dma_start3A_234 : memref<128x128xf32, #tpu.memory_space<hbm>>) target(%arg8 : memref<128x128xf32, #tpu.memory_space<vmem>>) target_semaphore(%dma_start3A_232 : memref<!tpu.dma_semaphore, #tpu.memory_space<semaphore_mem>>)
    } else {
    }
    %dma_wait3A = arith.constant 0 : i32
    %dma_wait3A_51 = arith.constant 0 : i32
    %dma_wait3A_52 = tpu.memref_slice %arg6[%dma_wait3A, %dma_wait3A_51] : memref<10000x128xf32, #tpu.memory_space<vmem_shared>> -> memref<128x128xf32, #tpu.memory_space<vmem_shared>>
    %dma_wait3A_53 = arith.constant 0 : i32
    %dma_wait3A_54 = arith.constant 0 : i32
    %dma_wait3A_55 = tpu.memref_slice %arg6[%dma_wait3A_53, %dma_wait3A_54] : memref<10000x128xf32, #tpu.memory_space<vmem_shared>> -> memref<128x128xf32, #tpu.memory_space<vmem_shared>>
    tpu.wait_dma2 semaphore(%arg11 : memref<!tpu.dma_semaphore, #tpu.memory_space<semaphore_mem>>) src(%arg9 : memref<128x128xf32, #tpu.memory_space<vmem>>) dst(%dma_wait3A_55 : memref<128x128xf32, #tpu.memory_space<vmem_shared>>)
    %dma_wait3A_56 = arith.constant 0 : i32
    %dma_wait3A_57 = arith.constant 0 : i32
    %dma_wait3A_58 = tpu.memref_slice %arg6[%dma_wait3A_56, %dma_wait3A_57] : memref<10000x128xf32, #tpu.memory_space<vmem_shared>> -> memref<128x128xf32, #tpu.memory_space<vmem_shared>>
    %dma_wait3A_59 = arith.constant 0 : i32
    %dma_wait3A_60 = arith.constant 0 : i32
    %dma_wait3A_61 = tpu.memref_slice %arg6[%dma_wait3A_59, %dma_wait3A_60] : memref<10000x128xf32, #tpu.memory_space<vmem_shared>> -> memref<128x128xf32, #tpu.memory_space<vmem_shared>>
    tpu.wait_dma2 semaphore(%arg11 : memref<!tpu.dma_semaphore, #tpu.memory_space<semaphore_mem>>) src(%arg9 : memref<128x128xf32, #tpu.memory_space<vmem>>) dst(%dma_wait3A_61 : memref<128x128xf32, #tpu.memory_space<vmem_shared>>)
    %dma_wait3A_62 = arith.constant 0 : i32
    %dma_wait3A_63 = arith.constant 0 : i32
    %dma_wait3A_64 = tpu.memref_slice %arg6[%dma_wait3A_62, %dma_wait3A_63] : memref<10000x128xf32, #tpu.memory_space<vmem_shared>> -> memref<128x128xf32, #tpu.memory_space<vmem_shared>>
    %dma_wait3A_65 = arith.constant 0 : i32
    %dma_wait3A_66 = arith.constant 0 : i32
    %dma_wait3A_67 = tpu.memref_slice %arg6[%dma_wait3A_65, %dma_wait3A_66] : memref<10000x128xf32, #tpu.memory_space<vmem_shared>> -> memref<128x128xf32, #tpu.memory_space<vmem_shared>>
    tpu.wait_dma2 semaphore(%arg11 : memref<!tpu.dma_semaphore, #tpu.memory_space<semaphore_mem>>) src(%arg9 : memref<128x128xf32, #tpu.memory_space<vmem>>) dst(%dma_wait3A_67 : memref<128x128xf32, #tpu.memory_space<vmem_shared>>)
    %dma_wait3A_68 = arith.constant 0 : i32
    %dma_wait3A_69 = arith.constant 0 : i32
    %dma_wait3A_70 = tpu.memref_slice %arg6[%dma_wait3A_68, %dma_wait3A_69] : memref<10000x128xf32, #tpu.memory_space<vmem_shared>> -> memref<128x128xf32, #tpu.memory_space<vmem_shared>>
    %dma_wait3A_71 = arith.constant 0 : i32
    %dma_wait3A_72 = arith.constant 0 : i32
    %dma_wait3A_73 = tpu.memref_slice %arg6[%dma_wait3A_71, %dma_wait3A_72] : memref<10000x128xf32, #tpu.memory_space<vmem_shared>> -> memref<128x128xf32, #tpu.memory_space<vmem_shared>>
    tpu.wait_dma2 semaphore(%arg11 : memref<!tpu.dma_semaphore, #tpu.memory_space<semaphore_mem>>) src(%arg9 : memref<128x128xf32, #tpu.memory_space<vmem>>) dst(%dma_wait3A_73 : memref<128x128xf32, #tpu.memory_space<vmem_shared>>)
    %dma_wait3A_74 = arith.constant 0 : i32
    %dma_wait3A_75 = arith.constant 0 : i32
    %dma_wait3A_76 = tpu.memref_slice %arg9[%dma_wait3A_74, %dma_wait3A_75] : memref<128x128xf32, #tpu.memory_space<vmem>> -> memref<112x128xf32, #tpu.memory_space<vmem>>
    %dma_wait3A_77 = arith.constant 0 : i32
    %dma_wait3A_78 = arith.constant 0 : i32
    %dma_wait3A_79 = tpu.memref_slice %arg6[%dma_wait3A_77, %dma_wait3A_78] : memref<10000x128xf32, #tpu.memory_space<vmem_shared>> -> memref<112x128xf32, #tpu.memory_space<vmem_shared>>
    %dma_wait3A_80 = arith.constant 0 : i32
    %dma_wait3A_81 = arith.constant 0 : i32
    %dma_wait3A_82 = tpu.memref_slice %arg6[%dma_wait3A_80, %dma_wait3A_81] : memref<10000x128xf32, #tpu.memory_space<vmem_shared>> -> memref<112x128xf32, #tpu.memory_space<vmem_shared>>
    %dma_wait3A_83 = arith.constant 0 : i32
    %dma_wait3A_84 = arith.constant 0 : i32
    %dma_wait3A_85 = tpu.memref_slice %arg9[%dma_wait3A_83, %dma_wait3A_84] : memref<128x128xf32, #tpu.memory_space<vmem>> -> memref<112x128xf32, #tpu.memory_space<vmem>>
    tpu.wait_dma2 semaphore(%arg11 : memref<!tpu.dma_semaphore, #tpu.memory_space<semaphore_mem>>) src(%dma_wait3A_85 : memref<112x128xf32, #tpu.memory_space<vmem>>) dst(%dma_wait3A_82 : memref<112x128xf32, #tpu.memory_space<vmem_shared>>)
    %eq3A_86 = arith.constant 0 : i32
    %eq3A_87 = arith.cmpi eq, %arg1, %eq3A_86 : i32
    %convert_element_type3A_88 = arith.extui %eq3A_87 : i1 to i32
    %cond3A_89 = arith.constant 0 : i32
    %cond3A_90 = arith.cmpi ne, %convert_element_type3A_88, %cond3A_89 : i32
    scf.if %cond3A_90 {
      %dma_wait3A_208 = arith.constant 0 : i32
      %dma_wait3A_209 = arith.constant 0 : i32
      %dma_wait3A_210 = tpu.memref_slice %arg9[%dma_wait3A_208, %dma_wait3A_209] : memref<128x128xf32, #tpu.memory_space<vmem>> -> memref<16x128xf32, #tpu.memory_space<vmem>>
      %dma_wait3A_211 = arith.constant 0 : i32
      %dma_wait3A_212 = arith.constant 0 : i32
      %dma_wait3A_213 = tpu.memref_slice %arg6[%dma_wait3A_211, %dma_wait3A_212] : memref<10000x128xf32, #tpu.memory_space<vmem_shared>> -> memref<16x128xf32, #tpu.memory_space<vmem_shared>>
      %dma_wait3A_214 = arith.constant 0 : i32
      %dma_wait3A_215 = arith.constant 0 : i32
      %dma_wait3A_216 = tpu.memref_slice %arg6[%dma_wait3A_214, %dma_wait3A_215] : memref<10000x128xf32, #tpu.memory_space<vmem_shared>> -> memref<16x128xf32, #tpu.memory_space<vmem_shared>>
      %dma_wait3A_217 = arith.constant 0 : i32
      %dma_wait3A_218 = arith.constant 0 : i32
      %dma_wait3A_219 = tpu.memref_slice %arg9[%dma_wait3A_217, %dma_wait3A_218] : memref<128x128xf32, #tpu.memory_space<vmem>> -> memref<16x128xf32, #tpu.memory_space<vmem>>
      tpu.wait_dma2 semaphore(%arg11 : memref<!tpu.dma_semaphore, #tpu.memory_space<semaphore_mem>>) src(%dma_wait3A_219 : memref<16x128xf32, #tpu.memory_space<vmem>>) dst(%dma_wait3A_216 : memref<16x128xf32, #tpu.memory_space<vmem_shared>>)
    } else {
    }
    %barrier3A = arith.constant 0 : index
    tpu.barrier barrier_id(%barrier3A)
    %scan3A_91 = arith.constant 0 : i32
    %scan3A_92 = arith.constant 38 : i32
    %scan3A_93 = arith.addi %scan3A_91, %scan3A_92 : i32
    %scan3A_94 = arith.constant 1 : i32
    scf.for %scan3A_208 = %scan3A_91 to %scan3A_93 step %scan3A_94  : i32 {
      %mul3A_209 = arith.constant 2 : i32
      %mul3A_210 = arith.muli %scan3A_208, %mul3A_209 : i32
      %add3A_211 = arith.constant 0 : i32
      %add3A_212 = arith.addi %add3A_211, %mul3A_210 : i32
      %add3A_213 = arith.constant 0 : i32
      %add3A_214 = arith.addi %add3A_212, %add3A_213 : i32
      %add3A_215 = arith.constant 1 : i32
      %add3A_216 = arith.addi %add3A_214, %add3A_215 : i32
      %mul3A_217 = arith.constant 32 : i32
      %mul3A_218 = arith.muli %add3A_216, %mul3A_217 : i32
      %add3A_219 = arith.addi %mul3A_218, %add3A : i32
      %dma_start3A_220 = arith.constant 1 : i32
      %dma_start3A_221 = arith.constant 1 : i32
      %dma_start3A_222 = arith.constant 0 : i32
      %dma_start3A_223 = tpu.memref_slice %arg7[%dma_start3A_220, %dma_start3A_222] : memref<2x128xi32, #tpu.memory_space<vmem>> -> memref<1x128xi32, #tpu.memory_space<vmem>>
      %dma_start3A_224 = tpu.memref_squeeze %dma_start3A_223 : memref<1x128xi32, #tpu.memory_space<vmem>> -> memref<128xi32, #tpu.memory_space<vmem>>
      %dma_start3A_225 = arith.constant 0 : i32
      %dma_start3A_226 = tpu.memref_slice %arg3[%add3A_219, %dma_start3A_225] : memref<2500x128xi32, #tpu.memory_space<hbm>> -> memref<1x128xi32, #tpu.memory_space<hbm>>
      %dma_start3A_227 = tpu.memref_squeeze %dma_start3A_226 : memref<1x128xi32, #tpu.memory_space<hbm>> -> memref<128xi32, #tpu.memory_space<hbm>>
      %dma_start3A_228 = tpu.memref_slice %arg10[%dma_start3A_221] : memref<2x!tpu.dma_semaphore, #tpu.memory_space<semaphore_mem>> -> memref<1x!tpu.dma_semaphore, #tpu.memory_space<semaphore_mem>>
      %dma_start3A_229 = tpu.memref_squeeze %dma_start3A_228 : memref<1x!tpu.dma_semaphore, #tpu.memory_space<semaphore_mem>> -> memref<!tpu.dma_semaphore, #tpu.memory_space<semaphore_mem>>
      %dma_start3A_230 = arith.constant 0 : i32
      %dma_start3A_231 = tpu.memref_slice %arg7[%dma_start3A_220, %dma_start3A_230] : memref<2x128xi32, #tpu.memory_space<vmem>> -> memref<1x128xi32, #tpu.memory_space<vmem>>
      %dma_start3A_232 = tpu.memref_squeeze %dma_start3A_231 : memref<1x128xi32, #tpu.memory_space<vmem>> -> memref<128xi32, #tpu.memory_space<vmem>>
      %dma_start3A_233 = arith.constant 0 : i32
      %dma_start3A_234 = tpu.memref_slice %arg3[%add3A_219, %dma_start3A_233] : memref<2500x128xi32, #tpu.memory_space<hbm>> -> memref<1x128xi32, #tpu.memory_space<hbm>>
      %dma_start3A_235 = tpu.memref_squeeze %dma_start3A_234 : memref<1x128xi32, #tpu.memory_space<hbm>> -> memref<128xi32, #tpu.memory_space<hbm>>
      tpu.enqueue_dma source(%dma_start3A_235 : memref<128xi32, #tpu.memory_space<hbm>>) target(%dma_start3A_232 : memref<128xi32, #tpu.memory_space<vmem>>) target_semaphore(%dma_start3A_229 : memref<!tpu.dma_semaphore, #tpu.memory_space<semaphore_mem>>)
      %mul3A_236 = arith.constant 128 : i32
      %mul3A_237 = arith.muli %add3A_219, %mul3A_236 : i32
      %dma_start3A_238 = arith.constant 1 : i32
      %dma_start3A_239 = arith.constant 0 : i32
      %dma_start3A_240 = tpu.memref_slice %arg2[%mul3A_237, %dma_start3A_239] : memref<320000x128xf32, #tpu.memory_space<hbm>> -> memref<128x128xf32, #tpu.memory_space<hbm>>
      %dma_start3A_241 = tpu.memref_slice %arg10[%dma_start3A_238] : memref<2x!tpu.dma_semaphore, #tpu.memory_space<semaphore_mem>> -> memref<1x!tpu.dma_semaphore, #tpu.memory_space<semaphore_mem>>
      %dma_start3A_242 = tpu.memref_squeeze %dma_start3A_241 : memref<1x!tpu.dma_semaphore, #tpu.memory_space<semaphore_mem>> -> memref<!tpu.dma_semaphore, #tpu.memory_space<semaphore_mem>>
      %dma_start3A_243 = arith.constant 0 : i32
      %dma_start3A_244 = tpu.memref_slice %arg2[%mul3A_237, %dma_start3A_243] : memref<320000x128xf32, #tpu.memory_space<hbm>> -> memref<128x128xf32, #tpu.memory_space<hbm>>
      tpu.enqueue_dma source(%dma_start3A_244 : memref<128x128xf32, #tpu.memory_space<hbm>>) target(%arg9 : memref<128x128xf32, #tpu.memory_space<vmem>>) target_semaphore(%dma_start3A_242 : memref<!tpu.dma_semaphore, #tpu.memory_space<semaphore_mem>>)
      %dma_wait3A_245 = arith.constant 0 : i32
      %dma_wait3A_246 = arith.constant 0 : i32
      %dma_wait3A_247 = arith.constant 0 : i32
      %dma_wait3A_248 = arith.constant 0 : i32
      %dma_wait3A_249 = tpu.memref_slice %arg7[%dma_wait3A_246, %dma_wait3A_248] : memref<2x128xi32, #tpu.memory_space<vmem>> -> memref<1x128xi32, #tpu.memory_space<vmem>>
      %dma_wait3A_250 = tpu.memref_squeeze %dma_wait3A_249 : memref<1x128xi32, #tpu.memory_space<vmem>> -> memref<128xi32, #tpu.memory_space<vmem>>
      %dma_wait3A_251 = arith.constant 0 : i32
      %dma_wait3A_252 = tpu.memref_slice %arg3[%dma_wait3A_245, %dma_wait3A_251] : memref<2500x128xi32, #tpu.memory_space<hbm>> -> memref<1x128xi32, #tpu.memory_space<hbm>>
      %dma_wait3A_253 = tpu.memref_squeeze %dma_wait3A_252 : memref<1x128xi32, #tpu.memory_space<hbm>> -> memref<128xi32, #tpu.memory_space<hbm>>
      %dma_wait3A_254 = tpu.memref_slice %arg10[%dma_wait3A_247] : memref<2x!tpu.dma_semaphore, #tpu.memory_space<semaphore_mem>> -> memref<1x!tpu.dma_semaphore, #tpu.memory_space<semaphore_mem>>
      %dma_wait3A_255 = tpu.memref_squeeze %dma_wait3A_254 : memref<1x!tpu.dma_semaphore, #tpu.memory_space<semaphore_mem>> -> memref<!tpu.dma_semaphore, #tpu.memory_space<semaphore_mem>>
      %dma_wait3A_256 = arith.constant 0 : i32
      %dma_wait3A_257 = tpu.memref_slice %arg7[%dma_wait3A_246, %dma_wait3A_256] : memref<2x128xi32, #tpu.memory_space<vmem>> -> memref<1x128xi32, #tpu.memory_space<vmem>>
      %dma_wait3A_258 = tpu.memref_squeeze %dma_wait3A_257 : memref<1x128xi32, #tpu.memory_space<vmem>> -> memref<128xi32, #tpu.memory_space<vmem>>
      %dma_wait3A_259 = arith.constant 0 : i32
      %dma_wait3A_260 = tpu.memref_slice %arg3[%dma_wait3A_245, %dma_wait3A_259] : memref<2500x128xi32, #tpu.memory_space<hbm>> -> memref<1x128xi32, #tpu.memory_space<hbm>>
      %dma_wait3A_261 = tpu.memref_squeeze %dma_wait3A_260 : memref<1x128xi32, #tpu.memory_space<hbm>> -> memref<128xi32, #tpu.memory_space<hbm>>
      tpu.wait_dma2 semaphore(%dma_wait3A_255 : memref<!tpu.dma_semaphore, #tpu.memory_space<semaphore_mem>>) src(%dma_wait3A_261 : memref<128xi32, #tpu.memory_space<hbm>>) dst(%dma_wait3A_258 : memref<128xi32, #tpu.memory_space<vmem>>)
      %dma_wait3A_262 = arith.constant 0 : i32
      %dma_wait3A_263 = arith.constant 0 : i32
      %dma_wait3A_264 = arith.constant 0 : i32
      %dma_wait3A_265 = tpu.memref_slice %arg2[%dma_wait3A_263, %dma_wait3A_264] : memref<320000x128xf32, #tpu.memory_space<hbm>> -> memref<128x128xf32, #tpu.memory_space<hbm>>
      %dma_wait3A_266 = tpu.memref_slice %arg10[%dma_wait3A_262] : memref<2x!tpu.dma_semaphore, #tpu.memory_space<semaphore_mem>> -> memref<1x!tpu.dma_semaphore, #tpu.memory_space<semaphore_mem>>
      %dma_wait3A_267 = tpu.memref_squeeze %dma_wait3A_266 : memref<1x!tpu.dma_semaphore, #tpu.memory_space<semaphore_mem>> -> memref<!tpu.dma_semaphore, #tpu.memory_space<semaphore_mem>>
      %dma_wait3A_268 = arith.constant 0 : i32
      %dma_wait3A_269 = arith.constant 0 : i32
      %dma_wait3A_270 = tpu.memref_slice %arg2[%dma_wait3A_268, %dma_wait3A_269] : memref<320000x128xf32, #tpu.memory_space<hbm>> -> memref<128x128xf32, #tpu.memory_space<hbm>>
      tpu.wait_dma2 semaphore(%dma_wait3A_267 : memref<!tpu.dma_semaphore, #tpu.memory_space<semaphore_mem>>) src(%dma_wait3A_270 : memref<128x128xf32, #tpu.memory_space<hbm>>) dst(%arg8 : memref<128x128xf32, #tpu.memory_space<vmem>>)
      %run_scoped3A_271 = arith.constant 0 : i32
      "tpu.region"() ({
        %run_scoped3A_331 = tpu.sem_alloc : memref<!tpu.dma_semaphore, #tpu.memory_space<semaphore_mem>>
        %dma_start3A_332 = arith.constant 0 : i32
        %dma_start3A_333 = tpu.memref_slice %arg7[%run_scoped3A_271, %dma_start3A_332] : memref<2x128xi32, #tpu.memory_space<vmem>> -> memref<1x128xi32, #tpu.memory_space<vmem>>
        %dma_start3A_334 = tpu.memref_squeeze %dma_start3A_333 : memref<1x128xi32, #tpu.memory_space<vmem>> -> memref<128xi32, #tpu.memory_space<vmem>>
        %dma_start3A_335 = arith.constant 0 : i32
        %dma_start3A_336 = arith.constant 0 : i32
        %dma_start3A_337 = tpu.memref_slice %arg6[%dma_start3A_335, %dma_start3A_336] : memref<10000x128xf32, #tpu.memory_space<vmem_shared>> -> memref<10000x128xf32, #tpu.memory_space<vmem_shared>>
        tpu.enqueue_indirect_dma source(%arg8 : memref<128x128xf32, #tpu.memory_space<vmem>>) target(%dma_start3A_337 : memref<10000x128xf32, #tpu.memory_space<vmem_shared>>) offsets(%dma_start3A_334 : memref<128xi32, #tpu.memory_space<vmem>>) semaphore(%run_scoped3A_331 : memref<!tpu.dma_semaphore, #tpu.memory_space<semaphore_mem>>) {add = true}
        %dma_wait3A_338 = arith.constant 0 : i32
        %dma_wait3A_339 = tpu.memref_slice %arg7[%run_scoped3A_271, %dma_wait3A_338] : memref<2x128xi32, #tpu.memory_space<vmem>> -> memref<1x128xi32, #tpu.memory_space<vmem>>
        %dma_wait3A_340 = tpu.memref_squeeze %dma_wait3A_339 : memref<1x128xi32, #tpu.memory_space<vmem>> -> memref<128xi32, #tpu.memory_space<vmem>>
        %dma_wait3A_341 = arith.constant 0 : i32
        %dma_wait3A_342 = arith.constant 0 : i32
        %dma_wait3A_343 = tpu.memref_slice %arg6[%dma_wait3A_341, %dma_wait3A_342] : memref<10000x128xf32, #tpu.memory_space<vmem_shared>> -> memref<10000x128xf32, #tpu.memory_space<vmem_shared>>
        tpu.wait_indirect_dma semaphore(%run_scoped3A_331 : memref<!tpu.dma_semaphore, #tpu.memory_space<semaphore_mem>>) src(%arg8 : memref<128x128xf32, #tpu.memory_space<vmem>>) dst(%dma_wait3A_343 : memref<10000x128xf32, #tpu.memory_space<vmem_shared>>)
        tpu.yield
      }) : () -> ()
      %add3A_272 = arith.constant 1 : i32
      %add3A_273 = arith.addi %add3A_212, %add3A_272 : i32
      %add3A_274 = arith.constant 1 : i32
      %add3A_275 = arith.addi %add3A_273, %add3A_274 : i32
      %mul3A_276 = arith.constant 32 : i32
      %mul3A_277 = arith.muli %add3A_275, %mul3A_276 : i32
      %add3A_278 = arith.addi %mul3A_277, %add3A : i32
      %dma_start3A_279 = arith.constant 0 : i32
      %dma_start3A_280 = arith.constant 0 : i32
      %dma_start3A_281 = arith.constant 0 : i32
      %dma_start3A_282 = tpu.memref_slice %arg7[%dma_start3A_279, %dma_start3A_281] : memref<2x128xi32, #tpu.memory_space<vmem>> -> memref<1x128xi32, #tpu.memory_space<vmem>>
      %dma_start3A_283 = tpu.memref_squeeze %dma_start3A_282 : memref<1x128xi32, #tpu.memory_space<vmem>> -> memref<128xi32, #tpu.memory_space<vmem>>
      %dma_start3A_284 = arith.constant 0 : i32
      %dma_start3A_285 = tpu.memref_slice %arg3[%add3A_278, %dma_start3A_284] : memref<2500x128xi32, #tpu.memory_space<hbm>> -> memref<1x128xi32, #tpu.memory_space<hbm>>
      %dma_start3A_286 = tpu.memref_squeeze %dma_start3A_285 : memref<1x128xi32, #tpu.memory_space<hbm>> -> memref<128xi32, #tpu.memory_space<hbm>>
      %dma_start3A_287 = tpu.memref_slice %arg10[%dma_start3A_280] : memref<2x!tpu.dma_semaphore, #tpu.memory_space<semaphore_mem>> -> memref<1x!tpu.dma_semaphore, #tpu.memory_space<semaphore_mem>>
      %dma_start3A_288 = tpu.memref_squeeze %dma_start3A_287 : memref<1x!tpu.dma_semaphore, #tpu.memory_space<semaphore_mem>> -> memref<!tpu.dma_semaphore, #tpu.memory_space<semaphore_mem>>
      %dma_start3A_289 = arith.constant 0 : i32
      %dma_start3A_290 = tpu.memref_slice %arg7[%dma_start3A_279, %dma_start3A_289] : memref<2x128xi32, #tpu.memory_space<vmem>> -> memref<1x128xi32, #tpu.memory_space<vmem>>
      %dma_start3A_291 = tpu.memref_squeeze %dma_start3A_290 : memref<1x128xi32, #tpu.memory_space<vmem>> -> memref<128xi32, #tpu.memory_space<vmem>>
      %dma_start3A_292 = arith.constant 0 : i32
      %dma_start3A_293 = tpu.memref_slice %arg3[%add3A_278, %dma_start3A_292] : memref<2500x128xi32, #tpu.memory_space<hbm>> -> memref<1x128xi32, #tpu.memory_space<hbm>>
      %dma_start3A_294 = tpu.memref_squeeze %dma_start3A_293 : memref<1x128xi32, #tpu.memory_space<hbm>> -> memref<128xi32, #tpu.memory_space<hbm>>
      tpu.enqueue_dma source(%dma_start3A_294 : memref<128xi32, #tpu.memory_space<hbm>>) target(%dma_start3A_291 : memref<128xi32, #tpu.memory_space<vmem>>) target_semaphore(%dma_start3A_288 : memref<!tpu.dma_semaphore, #tpu.memory_space<semaphore_mem>>)
      %mul3A_295 = arith.constant 128 : i32
      %mul3A_296 = arith.muli %add3A_278, %mul3A_295 : i32
      %dma_start3A_297 = arith.constant 0 : i32
      %dma_start3A_298 = arith.constant 0 : i32
      %dma_start3A_299 = tpu.memref_slice %arg2[%mul3A_296, %dma_start3A_298] : memref<320000x128xf32, #tpu.memory_space<hbm>> -> memref<128x128xf32, #tpu.memory_space<hbm>>
      %dma_start3A_300 = tpu.memref_slice %arg10[%dma_start3A_297] : memref<2x!tpu.dma_semaphore, #tpu.memory_space<semaphore_mem>> -> memref<1x!tpu.dma_semaphore, #tpu.memory_space<semaphore_mem>>
      %dma_start3A_301 = tpu.memref_squeeze %dma_start3A_300 : memref<1x!tpu.dma_semaphore, #tpu.memory_space<semaphore_mem>> -> memref<!tpu.dma_semaphore, #tpu.memory_space<semaphore_mem>>
      %dma_start3A_302 = arith.constant 0 : i32
      %dma_start3A_303 = tpu.memref_slice %arg2[%mul3A_296, %dma_start3A_302] : memref<320000x128xf32, #tpu.memory_space<hbm>> -> memref<128x128xf32, #tpu.memory_space<hbm>>
      tpu.enqueue_dma source(%dma_start3A_303 : memref<128x128xf32, #tpu.memory_space<hbm>>) target(%arg8 : memref<128x128xf32, #tpu.memory_space<vmem>>) target_semaphore(%dma_start3A_301 : memref<!tpu.dma_semaphore, #tpu.memory_space<semaphore_mem>>)
      %dma_wait3A_304 = arith.constant 0 : i32
      %dma_wait3A_305 = arith.constant 1 : i32
      %dma_wait3A_306 = arith.constant 1 : i32
      %dma_wait3A_307 = arith.constant 0 : i32
      %dma_wait3A_308 = tpu.memref_slice %arg7[%dma_wait3A_305, %dma_wait3A_307] : memref<2x128xi32, #tpu.memory_space<vmem>> -> memref<1x128xi32, #tpu.memory_space<vmem>>
      %dma_wait3A_309 = tpu.memref_squeeze %dma_wait3A_308 : memref<1x128xi32, #tpu.memory_space<vmem>> -> memref<128xi32, #tpu.memory_space<vmem>>
      %dma_wait3A_310 = arith.constant 0 : i32
      %dma_wait3A_311 = tpu.memref_slice %arg3[%dma_wait3A_304, %dma_wait3A_310] : memref<2500x128xi32, #tpu.memory_space<hbm>> -> memref<1x128xi32, #tpu.memory_space<hbm>>
      %dma_wait3A_312 = tpu.memref_squeeze %dma_wait3A_311 : memref<1x128xi32, #tpu.memory_space<hbm>> -> memref<128xi32, #tpu.memory_space<hbm>>
      %dma_wait3A_313 = tpu.memref_slice %arg10[%dma_wait3A_306] : memref<2x!tpu.dma_semaphore, #tpu.memory_space<semaphore_mem>> -> memref<1x!tpu.dma_semaphore, #tpu.memory_space<semaphore_mem>>
      %dma_wait3A_314 = tpu.memref_squeeze %dma_wait3A_313 : memref<1x!tpu.dma_semaphore, #tpu.memory_space<semaphore_mem>> -> memref<!tpu.dma_semaphore, #tpu.memory_space<semaphore_mem>>
      %dma_wait3A_315 = arith.constant 0 : i32
      %dma_wait3A_316 = tpu.memref_slice %arg7[%dma_wait3A_305, %dma_wait3A_315] : memref<2x128xi32, #tpu.memory_space<vmem>> -> memref<1x128xi32, #tpu.memory_space<vmem>>
      %dma_wait3A_317 = tpu.memref_squeeze %dma_wait3A_316 : memref<1x128xi32, #tpu.memory_space<vmem>> -> memref<128xi32, #tpu.memory_space<vmem>>
      %dma_wait3A_318 = arith.constant 0 : i32
      %dma_wait3A_319 = tpu.memref_slice %arg3[%dma_wait3A_304, %dma_wait3A_318] : memref<2500x128xi32, #tpu.memory_space<hbm>> -> memref<1x128xi32, #tpu.memory_space<hbm>>
      %dma_wait3A_320 = tpu.memref_squeeze %dma_wait3A_319 : memref<1x128xi32, #tpu.memory_space<hbm>> -> memref<128xi32, #tpu.memory_space<hbm>>
      tpu.wait_dma2 semaphore(%dma_wait3A_314 : memref<!tpu.dma_semaphore, #tpu.memory_space<semaphore_mem>>) src(%dma_wait3A_320 : memref<128xi32, #tpu.memory_space<hbm>>) dst(%dma_wait3A_317 : memref<128xi32, #tpu.memory_space<vmem>>)
      %dma_wait3A_321 = arith.constant 1 : i32
      %dma_wait3A_322 = arith.constant 0 : i32
      %dma_wait3A_323 = arith.constant 0 : i32
      %dma_wait3A_324 = tpu.memref_slice %arg2[%dma_wait3A_322, %dma_wait3A_323] : memref<320000x128xf32, #tpu.memory_space<hbm>> -> memref<128x128xf32, #tpu.memory_space<hbm>>
      %dma_wait3A_325 = tpu.memref_slice %arg10[%dma_wait3A_321] : memref<2x!tpu.dma_semaphore, #tpu.memory_space<semaphore_mem>> -> memref<1x!tpu.dma_semaphore, #tpu.memory_space<semaphore_mem>>
      %dma_wait3A_326 = tpu.memref_squeeze %dma_wait3A_325 : memref<1x!tpu.dma_semaphore, #tpu.memory_space<semaphore_mem>> -> memref<!tpu.dma_semaphore, #tpu.memory_space<semaphore_mem>>
      %dma_wait3A_327 = arith.constant 0 : i32
      %dma_wait3A_328 = arith.constant 0 : i32
      %dma_wait3A_329 = tpu.memref_slice %arg2[%dma_wait3A_327, %dma_wait3A_328] : memref<320000x128xf32, #tpu.memory_space<hbm>> -> memref<128x128xf32, #tpu.memory_space<hbm>>
      tpu.wait_dma2 semaphore(%dma_wait3A_326 : memref<!tpu.dma_semaphore, #tpu.memory_space<semaphore_mem>>) src(%dma_wait3A_329 : memref<128x128xf32, #tpu.memory_space<hbm>>) dst(%arg9 : memref<128x128xf32, #tpu.memory_space<vmem>>)
      %run_scoped3A_330 = arith.constant 1 : i32
      "tpu.region"() ({
        %run_scoped3A_331 = tpu.sem_alloc : memref<!tpu.dma_semaphore, #tpu.memory_space<semaphore_mem>>
        %dma_start3A_332 = arith.constant 0 : i32
        %dma_start3A_333 = tpu.memref_slice %arg7[%run_scoped3A_330, %dma_start3A_332] : memref<2x128xi32, #tpu.memory_space<vmem>> -> memref<1x128xi32, #tpu.memory_space<vmem>>
        %dma_start3A_334 = tpu.memref_squeeze %dma_start3A_333 : memref<1x128xi32, #tpu.memory_space<vmem>> -> memref<128xi32, #tpu.memory_space<vmem>>
        %dma_start3A_335 = arith.constant 0 : i32
        %dma_start3A_336 = arith.constant 0 : i32
        %dma_start3A_337 = tpu.memref_slice %arg6[%dma_start3A_335, %dma_start3A_336] : memref<10000x128xf32, #tpu.memory_space<vmem_shared>> -> memref<10000x128xf32, #tpu.memory_space<vmem_shared>>
        tpu.enqueue_indirect_dma source(%arg9 : memref<128x128xf32, #tpu.memory_space<vmem>>) target(%dma_start3A_337 : memref<10000x128xf32, #tpu.memory_space<vmem_shared>>) offsets(%dma_start3A_334 : memref<128xi32, #tpu.memory_space<vmem>>) semaphore(%run_scoped3A_331 : memref<!tpu.dma_semaphore, #tpu.memory_space<semaphore_mem>>) {add = true}
        %dma_wait3A_338 = arith.constant 0 : i32
        %dma_wait3A_339 = tpu.memref_slice %arg7[%run_scoped3A_330, %dma_wait3A_338] : memref<2x128xi32, #tpu.memory_space<vmem>> -> memref<1x128xi32, #tpu.memory_space<vmem>>
        %dma_wait3A_340 = tpu.memref_squeeze %dma_wait3A_339 : memref<1x128xi32, #tpu.memory_space<vmem>> -> memref<128xi32, #tpu.memory_space<vmem>>
        %dma_wait3A_341 = arith.constant 0 : i32
        %dma_wait3A_342 = arith.constant 0 : i32
        %dma_wait3A_343 = tpu.memref_slice %arg6[%dma_wait3A_341, %dma_wait3A_342] : memref<10000x128xf32, #tpu.memory_space<vmem_shared>> -> memref<10000x128xf32, #tpu.memory_space<vmem_shared>>
        tpu.wait_indirect_dma semaphore(%run_scoped3A_331 : memref<!tpu.dma_semaphore, #tpu.memory_space<semaphore_mem>>) src(%arg9 : memref<128x128xf32, #tpu.memory_space<vmem>>) dst(%dma_wait3A_343 : memref<10000x128xf32, #tpu.memory_space<vmem_shared>>)
        tpu.yield
      }) : () -> ()
    }
    %scan3A_95 = arith.constant 38 : i32
    %add3A_96 = arith.constant 2464 : i32
    %add3A_97 = arith.addi %add3A_96, %add3A : i32
    %dma_start3A_98 = arith.constant 1 : i32
    %dma_start3A_99 = arith.constant 1 : i32
    %dma_start3A_100 = arith.constant 0 : i32
    %dma_start3A_101 = tpu.memref_slice %arg7[%dma_start3A_98, %dma_start3A_100] : memref<2x128xi32, #tpu.memory_space<vmem>> -> memref<1x128xi32, #tpu.memory_space<vmem>>
    %dma_start3A_102 = tpu.memref_squeeze %dma_start3A_101 : memref<1x128xi32, #tpu.memory_space<vmem>> -> memref<128xi32, #tpu.memory_space<vmem>>
    %dma_start3A_103 = arith.constant 0 : i32
    %dma_start3A_104 = tpu.memref_slice %arg3[%add3A_97, %dma_start3A_103] : memref<2500x128xi32, #tpu.memory_space<hbm>> -> memref<1x128xi32, #tpu.memory_space<hbm>>
    %dma_start3A_105 = tpu.memref_squeeze %dma_start3A_104 : memref<1x128xi32, #tpu.memory_space<hbm>> -> memref<128xi32, #tpu.memory_space<hbm>>
    %dma_start3A_106 = tpu.memref_slice %arg10[%dma_start3A_99] : memref<2x!tpu.dma_semaphore, #tpu.memory_space<semaphore_mem>> -> memref<1x!tpu.dma_semaphore, #tpu.memory_space<semaphore_mem>>
    %dma_start3A_107 = tpu.memref_squeeze %dma_start3A_106 : memref<1x!tpu.dma_semaphore, #tpu.memory_space<semaphore_mem>> -> memref<!tpu.dma_semaphore, #tpu.memory_space<semaphore_mem>>
    %dma_start3A_108 = arith.constant 0 : i32
    %dma_start3A_109 = tpu.memref_slice %arg7[%dma_start3A_98, %dma_start3A_108] : memref<2x128xi32, #tpu.memory_space<vmem>> -> memref<1x128xi32, #tpu.memory_space<vmem>>
    %dma_start3A_110 = tpu.memref_squeeze %dma_start3A_109 : memref<1x128xi32, #tpu.memory_space<vmem>> -> memref<128xi32, #tpu.memory_space<vmem>>
    %dma_start3A_111 = arith.constant 0 : i32
    %dma_start3A_112 = tpu.memref_slice %arg3[%add3A_97, %dma_start3A_111] : memref<2500x128xi32, #tpu.memory_space<hbm>> -> memref<1x128xi32, #tpu.memory_space<hbm>>
    %dma_start3A_113 = tpu.memref_squeeze %dma_start3A_112 : memref<1x128xi32, #tpu.memory_space<hbm>> -> memref<128xi32, #tpu.memory_space<hbm>>
    tpu.enqueue_dma source(%dma_start3A_113 : memref<128xi32, #tpu.memory_space<hbm>>) target(%dma_start3A_110 : memref<128xi32, #tpu.memory_space<vmem>>) target_semaphore(%dma_start3A_107 : memref<!tpu.dma_semaphore, #tpu.memory_space<semaphore_mem>>)
    %mul3A_114 = arith.constant 128 : i32
    %mul3A_115 = arith.muli %add3A_97, %mul3A_114 : i32
    %dma_start3A_116 = arith.constant 1 : i32
    %dma_start3A_117 = arith.constant 0 : i32
    %dma_start3A_118 = tpu.memref_slice %arg2[%mul3A_115, %dma_start3A_117] : memref<320000x128xf32, #tpu.memory_space<hbm>> -> memref<128x128xf32, #tpu.memory_space<hbm>>
    %dma_start3A_119 = tpu.memref_slice %arg10[%dma_start3A_116] : memref<2x!tpu.dma_semaphore, #tpu.memory_space<semaphore_mem>> -> memref<1x!tpu.dma_semaphore, #tpu.memory_space<semaphore_mem>>
    %dma_start3A_120 = tpu.memref_squeeze %dma_start3A_119 : memref<1x!tpu.dma_semaphore, #tpu.memory_space<semaphore_mem>> -> memref<!tpu.dma_semaphore, #tpu.memory_space<semaphore_mem>>
    %dma_start3A_121 = arith.constant 0 : i32
    %dma_start3A_122 = tpu.memref_slice %arg2[%mul3A_115, %dma_start3A_121] : memref<320000x128xf32, #tpu.memory_space<hbm>> -> memref<128x128xf32, #tpu.memory_space<hbm>>
    tpu.enqueue_dma source(%dma_start3A_122 : memref<128x128xf32, #tpu.memory_space<hbm>>) target(%arg9 : memref<128x128xf32, #tpu.memory_space<vmem>>) target_semaphore(%dma_start3A_120 : memref<!tpu.dma_semaphore, #tpu.memory_space<semaphore_mem>>)
    %dma_wait3A_123 = arith.constant 0 : i32
    %dma_wait3A_124 = arith.constant 0 : i32
    %dma_wait3A_125 = arith.constant 0 : i32
    %dma_wait3A_126 = arith.constant 0 : i32
    %dma_wait3A_127 = tpu.memref_slice %arg7[%dma_wait3A_124, %dma_wait3A_126] : memref<2x128xi32, #tpu.memory_space<vmem>> -> memref<1x128xi32, #tpu.memory_space<vmem>>
    %dma_wait3A_128 = tpu.memref_squeeze %dma_wait3A_127 : memref<1x128xi32, #tpu.memory_space<vmem>> -> memref<128xi32, #tpu.memory_space<vmem>>
    %dma_wait3A_129 = arith.constant 0 : i32
    %dma_wait3A_130 = tpu.memref_slice %arg3[%dma_wait3A_123, %dma_wait3A_129] : memref<2500x128xi32, #tpu.memory_space<hbm>> -> memref<1x128xi32, #tpu.memory_space<hbm>>
    %dma_wait3A_131 = tpu.memref_squeeze %dma_wait3A_130 : memref<1x128xi32, #tpu.memory_space<hbm>> -> memref<128xi32, #tpu.memory_space<hbm>>
    %dma_wait3A_132 = tpu.memref_slice %arg10[%dma_wait3A_125] : memref<2x!tpu.dma_semaphore, #tpu.memory_space<semaphore_mem>> -> memref<1x!tpu.dma_semaphore, #tpu.memory_space<semaphore_mem>>
    %dma_wait3A_133 = tpu.memref_squeeze %dma_wait3A_132 : memref<1x!tpu.dma_semaphore, #tpu.memory_space<semaphore_mem>> -> memref<!tpu.dma_semaphore, #tpu.memory_space<semaphore_mem>>
    %dma_wait3A_134 = arith.constant 0 : i32
    %dma_wait3A_135 = tpu.memref_slice %arg7[%dma_wait3A_124, %dma_wait3A_134] : memref<2x128xi32, #tpu.memory_space<vmem>> -> memref<1x128xi32, #tpu.memory_space<vmem>>
    %dma_wait3A_136 = tpu.memref_squeeze %dma_wait3A_135 : memref<1x128xi32, #tpu.memory_space<vmem>> -> memref<128xi32, #tpu.memory_space<vmem>>
    %dma_wait3A_137 = arith.constant 0 : i32
    %dma_wait3A_138 = tpu.memref_slice %arg3[%dma_wait3A_123, %dma_wait3A_137] : memref<2500x128xi32, #tpu.memory_space<hbm>> -> memref<1x128xi32, #tpu.memory_space<hbm>>
    %dma_wait3A_139 = tpu.memref_squeeze %dma_wait3A_138 : memref<1x128xi32, #tpu.memory_space<hbm>> -> memref<128xi32, #tpu.memory_space<hbm>>
    tpu.wait_dma2 semaphore(%dma_wait3A_133 : memref<!tpu.dma_semaphore, #tpu.memory_space<semaphore_mem>>) src(%dma_wait3A_139 : memref<128xi32, #tpu.memory_space<hbm>>) dst(%dma_wait3A_136 : memref<128xi32, #tpu.memory_space<vmem>>)
    %dma_wait3A_140 = arith.constant 0 : i32
    %dma_wait3A_141 = arith.constant 0 : i32
    %dma_wait3A_142 = arith.constant 0 : i32
    %dma_wait3A_143 = tpu.memref_slice %arg2[%dma_wait3A_141, %dma_wait3A_142] : memref<320000x128xf32, #tpu.memory_space<hbm>> -> memref<128x128xf32, #tpu.memory_space<hbm>>
    %dma_wait3A_144 = tpu.memref_slice %arg10[%dma_wait3A_140] : memref<2x!tpu.dma_semaphore, #tpu.memory_space<semaphore_mem>> -> memref<1x!tpu.dma_semaphore, #tpu.memory_space<semaphore_mem>>
    %dma_wait3A_145 = tpu.memref_squeeze %dma_wait3A_144 : memref<1x!tpu.dma_semaphore, #tpu.memory_space<semaphore_mem>> -> memref<!tpu.dma_semaphore, #tpu.memory_space<semaphore_mem>>
    %dma_wait3A_146 = arith.constant 0 : i32
    %dma_wait3A_147 = arith.constant 0 : i32
    %dma_wait3A_148 = tpu.memref_slice %arg2[%dma_wait3A_146, %dma_wait3A_147] : memref<320000x128xf32, #tpu.memory_space<hbm>> -> memref<128x128xf32, #tpu.memory_space<hbm>>
    tpu.wait_dma2 semaphore(%dma_wait3A_145 : memref<!tpu.dma_semaphore, #tpu.memory_space<semaphore_mem>>) src(%dma_wait3A_148 : memref<128x128xf32, #tpu.memory_space<hbm>>) dst(%arg8 : memref<128x128xf32, #tpu.memory_space<vmem>>)
    %run_scoped3A = arith.constant 0 : i32
    "tpu.region"() ({
      %run_scoped3A_208 = tpu.sem_alloc : memref<!tpu.dma_semaphore, #tpu.memory_space<semaphore_mem>>
      %dma_start3A_209 = arith.constant 0 : i32
      %dma_start3A_210 = tpu.memref_slice %arg7[%run_scoped3A, %dma_start3A_209] : memref<2x128xi32, #tpu.memory_space<vmem>> -> memref<1x128xi32, #tpu.memory_space<vmem>>
      %dma_start3A_211 = tpu.memref_squeeze %dma_start3A_210 : memref<1x128xi32, #tpu.memory_space<vmem>> -> memref<128xi32, #tpu.memory_space<vmem>>
      %dma_start3A_212 = arith.constant 0 : i32
      %dma_start3A_213 = arith.constant 0 : i32
      %dma_start3A_214 = tpu.memref_slice %arg6[%dma_start3A_212, %dma_start3A_213] : memref<10000x128xf32, #tpu.memory_space<vmem_shared>> -> memref<10000x128xf32, #tpu.memory_space<vmem_shared>>
      tpu.enqueue_indirect_dma source(%arg8 : memref<128x128xf32, #tpu.memory_space<vmem>>) target(%dma_start3A_214 : memref<10000x128xf32, #tpu.memory_space<vmem_shared>>) offsets(%dma_start3A_211 : memref<128xi32, #tpu.memory_space<vmem>>) semaphore(%run_scoped3A_208 : memref<!tpu.dma_semaphore, #tpu.memory_space<semaphore_mem>>) {add = true}
      %dma_wait3A_215 = arith.constant 0 : i32
      %dma_wait3A_216 = tpu.memref_slice %arg7[%run_scoped3A, %dma_wait3A_215] : memref<2x128xi32, #tpu.memory_space<vmem>> -> memref<1x128xi32, #tpu.memory_space<vmem>>
      %dma_wait3A_217 = tpu.memref_squeeze %dma_wait3A_216 : memref<1x128xi32, #tpu.memory_space<vmem>> -> memref<128xi32, #tpu.memory_space<vmem>>
      %dma_wait3A_218 = arith.constant 0 : i32
      %dma_wait3A_219 = arith.constant 0 : i32
      %dma_wait3A_220 = tpu.memref_slice %arg6[%dma_wait3A_218, %dma_wait3A_219] : memref<10000x128xf32, #tpu.memory_space<vmem_shared>> -> memref<10000x128xf32, #tpu.memory_space<vmem_shared>>
      tpu.wait_indirect_dma semaphore(%run_scoped3A_208 : memref<!tpu.dma_semaphore, #tpu.memory_space<semaphore_mem>>) src(%arg8 : memref<128x128xf32, #tpu.memory_space<vmem>>) dst(%dma_wait3A_220 : memref<10000x128xf32, #tpu.memory_space<vmem_shared>>)
      tpu.yield
    }) : () -> ()
    %add3A_149 = arith.constant 2496 : i32
    %add3A_150 = arith.addi %add3A_149, %add3A : i32
    %lt3A_151 = arith.constant 2500 : i32
    %lt3A_152 = arith.cmpi slt, %add3A_150, %lt3A_151 : i32
    %convert_element_type3A_153 = arith.extui %lt3A_152 : i1 to i32
    %cond3A_154 = arith.constant 0 : i32
    %cond3A_155 = arith.cmpi ne, %convert_element_type3A_153, %cond3A_154 : i32
    scf.if %cond3A_155 {
      %add3A_208 = arith.constant 2496 : i32
      %add3A_209 = arith.addi %add3A_208, %add3A : i32
      %dma_start3A_210 = arith.constant 0 : i32
      %dma_start3A_211 = arith.constant 0 : i32
      %dma_start3A_212 = arith.constant 0 : i32
      %dma_start3A_213 = tpu.memref_slice %arg7[%dma_start3A_210, %dma_start3A_212] : memref<2x128xi32, #tpu.memory_space<vmem>> -> memref<1x128xi32, #tpu.memory_space<vmem>>
      %dma_start3A_214 = tpu.memref_squeeze %dma_start3A_213 : memref<1x128xi32, #tpu.memory_space<vmem>> -> memref<128xi32, #tpu.memory_space<vmem>>
      %dma_start3A_215 = arith.constant 0 : i32
      %dma_start3A_216 = tpu.memref_slice %arg3[%add3A_209, %dma_start3A_215] : memref<2500x128xi32, #tpu.memory_space<hbm>> -> memref<1x128xi32, #tpu.memory_space<hbm>>
      %dma_start3A_217 = tpu.memref_squeeze %dma_start3A_216 : memref<1x128xi32, #tpu.memory_space<hbm>> -> memref<128xi32, #tpu.memory_space<hbm>>
      %dma_start3A_218 = tpu.memref_slice %arg10[%dma_start3A_211] : memref<2x!tpu.dma_semaphore, #tpu.memory_space<semaphore_mem>> -> memref<1x!tpu.dma_semaphore, #tpu.memory_space<semaphore_mem>>
      %dma_start3A_219 = tpu.memref_squeeze %dma_start3A_218 : memref<1x!tpu.dma_semaphore, #tpu.memory_space<semaphore_mem>> -> memref<!tpu.dma_semaphore, #tpu.memory_space<semaphore_mem>>
      %dma_start3A_220 = arith.constant 0 : i32
      %dma_start3A_221 = tpu.memref_slice %arg7[%dma_start3A_210, %dma_start3A_220] : memref<2x128xi32, #tpu.memory_space<vmem>> -> memref<1x128xi32, #tpu.memory_space<vmem>>
      %dma_start3A_222 = tpu.memref_squeeze %dma_start3A_221 : memref<1x128xi32, #tpu.memory_space<vmem>> -> memref<128xi32, #tpu.memory_space<vmem>>
      %dma_start3A_223 = arith.constant 0 : i32
      %dma_start3A_224 = tpu.memref_slice %arg3[%add3A_209, %dma_start3A_223] : memref<2500x128xi32, #tpu.memory_space<hbm>> -> memref<1x128xi32, #tpu.memory_space<hbm>>
      %dma_start3A_225 = tpu.memref_squeeze %dma_start3A_224 : memref<1x128xi32, #tpu.memory_space<hbm>> -> memref<128xi32, #tpu.memory_space<hbm>>
      tpu.enqueue_dma source(%dma_start3A_225 : memref<128xi32, #tpu.memory_space<hbm>>) target(%dma_start3A_222 : memref<128xi32, #tpu.memory_space<vmem>>) target_semaphore(%dma_start3A_219 : memref<!tpu.dma_semaphore, #tpu.memory_space<semaphore_mem>>)
      %mul3A_226 = arith.constant 128 : i32
      %mul3A_227 = arith.muli %add3A_209, %mul3A_226 : i32
      %dma_start3A_228 = arith.constant 0 : i32
      %dma_start3A_229 = arith.constant 0 : i32
      %dma_start3A_230 = tpu.memref_slice %arg2[%mul3A_227, %dma_start3A_229] : memref<320000x128xf32, #tpu.memory_space<hbm>> -> memref<128x128xf32, #tpu.memory_space<hbm>>
      %dma_start3A_231 = tpu.memref_slice %arg10[%dma_start3A_228] : memref<2x!tpu.dma_semaphore, #tpu.memory_space<semaphore_mem>> -> memref<1x!tpu.dma_semaphore, #tpu.memory_space<semaphore_mem>>
      %dma_start3A_232 = tpu.memref_squeeze %dma_start3A_231 : memref<1x!tpu.dma_semaphore, #tpu.memory_space<semaphore_mem>> -> memref<!tpu.dma_semaphore, #tpu.memory_space<semaphore_mem>>
      %dma_start3A_233 = arith.constant 0 : i32
      %dma_start3A_234 = tpu.memref_slice %arg2[%mul3A_227, %dma_start3A_233] : memref<320000x128xf32, #tpu.memory_space<hbm>> -> memref<128x128xf32, #tpu.memory_space<hbm>>
      tpu.enqueue_dma source(%dma_start3A_234 : memref<128x128xf32, #tpu.memory_space<hbm>>) target(%arg8 : memref<128x128xf32, #tpu.memory_space<vmem>>) target_semaphore(%dma_start3A_232 : memref<!tpu.dma_semaphore, #tpu.memory_space<semaphore_mem>>)
    } else {
    }
    %dma_wait3A_156 = arith.constant 0 : i32
    %dma_wait3A_157 = arith.constant 1 : i32
    %dma_wait3A_158 = arith.constant 1 : i32
    %dma_wait3A_159 = arith.constant 0 : i32
    %dma_wait3A_160 = tpu.memref_slice %arg7[%dma_wait3A_157, %dma_wait3A_159] : memref<2x128xi32, #tpu.memory_space<vmem>> -> memref<1x128xi32, #tpu.memory_space<vmem>>
    %dma_wait3A_161 = tpu.memref_squeeze %dma_wait3A_160 : memref<1x128xi32, #tpu.memory_space<vmem>> -> memref<128xi32, #tpu.memory_space<vmem>>
    %dma_wait3A_162 = arith.constant 0 : i32
    %dma_wait3A_163 = tpu.memref_slice %arg3[%dma_wait3A_156, %dma_wait3A_162] : memref<2500x128xi32, #tpu.memory_space<hbm>> -> memref<1x128xi32, #tpu.memory_space<hbm>>
    %dma_wait3A_164 = tpu.memref_squeeze %dma_wait3A_163 : memref<1x128xi32, #tpu.memory_space<hbm>> -> memref<128xi32, #tpu.memory_space<hbm>>
    %dma_wait3A_165 = tpu.memref_slice %arg10[%dma_wait3A_158] : memref<2x!tpu.dma_semaphore, #tpu.memory_space<semaphore_mem>> -> memref<1x!tpu.dma_semaphore, #tpu.memory_space<semaphore_mem>>
    %dma_wait3A_166 = tpu.memref_squeeze %dma_wait3A_165 : memref<1x!tpu.dma_semaphore, #tpu.memory_space<semaphore_mem>> -> memref<!tpu.dma_semaphore, #tpu.memory_space<semaphore_mem>>
    %dma_wait3A_167 = arith.constant 0 : i32
    %dma_wait3A_168 = tpu.memref_slice %arg7[%dma_wait3A_157, %dma_wait3A_167] : memref<2x128xi32, #tpu.memory_space<vmem>> -> memref<1x128xi32, #tpu.memory_space<vmem>>
    %dma_wait3A_169 = tpu.memref_squeeze %dma_wait3A_168 : memref<1x128xi32, #tpu.memory_space<vmem>> -> memref<128xi32, #tpu.memory_space<vmem>>
    %dma_wait3A_170 = arith.constant 0 : i32
    %dma_wait3A_171 = tpu.memref_slice %arg3[%dma_wait3A_156, %dma_wait3A_170] : memref<2500x128xi32, #tpu.memory_space<hbm>> -> memref<1x128xi32, #tpu.memory_space<hbm>>
    %dma_wait3A_172 = tpu.memref_squeeze %dma_wait3A_171 : memref<1x128xi32, #tpu.memory_space<hbm>> -> memref<128xi32, #tpu.memory_space<hbm>>
    tpu.wait_dma2 semaphore(%dma_wait3A_166 : memref<!tpu.dma_semaphore, #tpu.memory_space<semaphore_mem>>) src(%dma_wait3A_172 : memref<128xi32, #tpu.memory_space<hbm>>) dst(%dma_wait3A_169 : memref<128xi32, #tpu.memory_space<vmem>>)
    %dma_wait3A_173 = arith.constant 1 : i32
    %dma_wait3A_174 = arith.constant 0 : i32
    %dma_wait3A_175 = arith.constant 0 : i32
    %dma_wait3A_176 = tpu.memref_slice %arg2[%dma_wait3A_174, %dma_wait3A_175] : memref<320000x128xf32, #tpu.memory_space<hbm>> -> memref<128x128xf32, #tpu.memory_space<hbm>>
    %dma_wait3A_177 = tpu.memref_slice %arg10[%dma_wait3A_173] : memref<2x!tpu.dma_semaphore, #tpu.memory_space<semaphore_mem>> -> memref<1x!tpu.dma_semaphore, #tpu.memory_space<semaphore_mem>>
    %dma_wait3A_178 = tpu.memref_squeeze %dma_wait3A_177 : memref<1x!tpu.dma_semaphore, #tpu.memory_space<semaphore_mem>> -> memref<!tpu.dma_semaphore, #tpu.memory_space<semaphore_mem>>
    %dma_wait3A_179 = arith.constant 0 : i32
    %dma_wait3A_180 = arith.constant 0 : i32
    %dma_wait3A_181 = tpu.memref_slice %arg2[%dma_wait3A_179, %dma_wait3A_180] : memref<320000x128xf32, #tpu.memory_space<hbm>> -> memref<128x128xf32, #tpu.memory_space<hbm>>
    tpu.wait_dma2 semaphore(%dma_wait3A_178 : memref<!tpu.dma_semaphore, #tpu.memory_space<semaphore_mem>>) src(%dma_wait3A_181 : memref<128x128xf32, #tpu.memory_space<hbm>>) dst(%arg9 : memref<128x128xf32, #tpu.memory_space<vmem>>)
    %run_scoped3A_182 = arith.constant 1 : i32
    "tpu.region"() ({
      %run_scoped3A_208 = tpu.sem_alloc : memref<!tpu.dma_semaphore, #tpu.memory_space<semaphore_mem>>
      %dma_start3A_209 = arith.constant 0 : i32
      %dma_start3A_210 = tpu.memref_slice %arg7[%run_scoped3A_182, %dma_start3A_209] : memref<2x128xi32, #tpu.memory_space<vmem>> -> memref<1x128xi32, #tpu.memory_space<vmem>>
      %dma_start3A_211 = tpu.memref_squeeze %dma_start3A_210 : memref<1x128xi32, #tpu.memory_space<vmem>> -> memref<128xi32, #tpu.memory_space<vmem>>
      %dma_start3A_212 = arith.constant 0 : i32
      %dma_start3A_213 = arith.constant 0 : i32
      %dma_start3A_214 = tpu.memref_slice %arg6[%dma_start3A_212, %dma_start3A_213] : memref<10000x128xf32, #tpu.memory_space<vmem_shared>> -> memref<10000x128xf32, #tpu.memory_space<vmem_shared>>
      tpu.enqueue_indirect_dma source(%arg9 : memref<128x128xf32, #tpu.memory_space<vmem>>) target(%dma_start3A_214 : memref<10000x128xf32, #tpu.memory_space<vmem_shared>>) offsets(%dma_start3A_211 : memref<128xi32, #tpu.memory_space<vmem>>) semaphore(%run_scoped3A_208 : memref<!tpu.dma_semaphore, #tpu.memory_space<semaphore_mem>>) {add = true}
      %dma_wait3A_215 = arith.constant 0 : i32
      %dma_wait3A_216 = tpu.memref_slice %arg7[%run_scoped3A_182, %dma_wait3A_215] : memref<2x128xi32, #tpu.memory_space<vmem>> -> memref<1x128xi32, #tpu.memory_space<vmem>>
      %dma_wait3A_217 = tpu.memref_squeeze %dma_wait3A_216 : memref<1x128xi32, #tpu.memory_space<vmem>> -> memref<128xi32, #tpu.memory_space<vmem>>
      %dma_wait3A_218 = arith.constant 0 : i32
      %dma_wait3A_219 = arith.constant 0 : i32
      %dma_wait3A_220 = tpu.memref_slice %arg6[%dma_wait3A_218, %dma_wait3A_219] : memref<10000x128xf32, #tpu.memory_space<vmem_shared>> -> memref<10000x128xf32, #tpu.memory_space<vmem_shared>>
      tpu.wait_indirect_dma semaphore(%run_scoped3A_208 : memref<!tpu.dma_semaphore, #tpu.memory_space<semaphore_mem>>) src(%arg9 : memref<128x128xf32, #tpu.memory_space<vmem>>) dst(%dma_wait3A_220 : memref<10000x128xf32, #tpu.memory_space<vmem_shared>>)
      tpu.yield
    }) : () -> ()
    %add3A_183 = arith.constant 2496 : i32
    %add3A_184 = arith.addi %add3A_183, %add3A : i32
    %lt3A_185 = arith.constant 2500 : i32
    %lt3A_186 = arith.cmpi slt, %add3A_184, %lt3A_185 : i32
    %convert_element_type3A_187 = arith.extui %lt3A_186 : i1 to i32
    %cond3A_188 = arith.constant 0 : i32
    %cond3A_189 = arith.cmpi ne, %convert_element_type3A_187, %cond3A_188 : i32
    scf.if %cond3A_189 {
      %dma_wait3A_208 = arith.constant 0 : i32
      %dma_wait3A_209 = arith.constant 0 : i32
      %dma_wait3A_210 = arith.constant 0 : i32
      %dma_wait3A_211 = arith.constant 0 : i32
      %dma_wait3A_212 = tpu.memref_slice %arg7[%dma_wait3A_209, %dma_wait3A_211] : memref<2x128xi32, #tpu.memory_space<vmem>> -> memref<1x128xi32, #tpu.memory_space<vmem>>
      %dma_wait3A_213 = tpu.memref_squeeze %dma_wait3A_212 : memref<1x128xi32, #tpu.memory_space<vmem>> -> memref<128xi32, #tpu.memory_space<vmem>>
      %dma_wait3A_214 = arith.constant 0 : i32
      %dma_wait3A_215 = tpu.memref_slice %arg3[%dma_wait3A_208, %dma_wait3A_214] : memref<2500x128xi32, #tpu.memory_space<hbm>> -> memref<1x128xi32, #tpu.memory_space<hbm>>
      %dma_wait3A_216 = tpu.memref_squeeze %dma_wait3A_215 : memref<1x128xi32, #tpu.memory_space<hbm>> -> memref<128xi32, #tpu.memory_space<hbm>>
      %dma_wait3A_217 = tpu.memref_slice %arg10[%dma_wait3A_210] : memref<2x!tpu.dma_semaphore, #tpu.memory_space<semaphore_mem>> -> memref<1x!tpu.dma_semaphore, #tpu.memory_space<semaphore_mem>>
      %dma_wait3A_218 = tpu.memref_squeeze %dma_wait3A_217 : memref<1x!tpu.dma_semaphore, #tpu.memory_space<semaphore_mem>> -> memref<!tpu.dma_semaphore, #tpu.memory_space<semaphore_mem>>
      %dma_wait3A_219 = arith.constant 0 : i32
      %dma_wait3A_220 = tpu.memref_slice %arg7[%dma_wait3A_209, %dma_wait3A_219] : memref<2x128xi32, #tpu.memory_space<vmem>> -> memref<1x128xi32, #tpu.memory_space<vmem>>
      %dma_wait3A_221 = tpu.memref_squeeze %dma_wait3A_220 : memref<1x128xi32, #tpu.memory_space<vmem>> -> memref<128xi32, #tpu.memory_space<vmem>>
      %dma_wait3A_222 = arith.constant 0 : i32
      %dma_wait3A_223 = tpu.memref_slice %arg3[%dma_wait3A_208, %dma_wait3A_222] : memref<2500x128xi32, #tpu.memory_space<hbm>> -> memref<1x128xi32, #tpu.memory_space<hbm>>
      %dma_wait3A_224 = tpu.memref_squeeze %dma_wait3A_223 : memref<1x128xi32, #tpu.memory_space<hbm>> -> memref<128xi32, #tpu.memory_space<hbm>>
      tpu.wait_dma2 semaphore(%dma_wait3A_218 : memref<!tpu.dma_semaphore, #tpu.memory_space<semaphore_mem>>) src(%dma_wait3A_224 : memref<128xi32, #tpu.memory_space<hbm>>) dst(%dma_wait3A_221 : memref<128xi32, #tpu.memory_space<vmem>>)
      %dma_wait3A_225 = arith.constant 0 : i32
      %dma_wait3A_226 = arith.constant 0 : i32
      %dma_wait3A_227 = arith.constant 0 : i32
      %dma_wait3A_228 = tpu.memref_slice %arg2[%dma_wait3A_226, %dma_wait3A_227] : memref<320000x128xf32, #tpu.memory_space<hbm>> -> memref<128x128xf32, #tpu.memory_space<hbm>>
      %dma_wait3A_229 = tpu.memref_slice %arg10[%dma_wait3A_225] : memref<2x!tpu.dma_semaphore, #tpu.memory_space<semaphore_mem>> -> memref<1x!tpu.dma_semaphore, #tpu.memory_space<semaphore_mem>>
      %dma_wait3A_230 = tpu.memref_squeeze %dma_wait3A_229 : memref<1x!tpu.dma_semaphore, #tpu.memory_space<semaphore_mem>> -> memref<!tpu.dma_semaphore, #tpu.memory_space<semaphore_mem>>
      %dma_wait3A_231 = arith.constant 0 : i32
      %dma_wait3A_232 = arith.constant 0 : i32
      %dma_wait3A_233 = tpu.memref_slice %arg2[%dma_wait3A_231, %dma_wait3A_232] : memref<320000x128xf32, #tpu.memory_space<hbm>> -> memref<128x128xf32, #tpu.memory_space<hbm>>
      tpu.wait_dma2 semaphore(%dma_wait3A_230 : memref<!tpu.dma_semaphore, #tpu.memory_space<semaphore_mem>>) src(%dma_wait3A_233 : memref<128x128xf32, #tpu.memory_space<hbm>>) dst(%arg8 : memref<128x128xf32, #tpu.memory_space<vmem>>)
    } else {
    }
    %add3A_190 = arith.constant 2496 : i32
    %add3A_191 = arith.addi %add3A_190, %add3A : i32
    %lt3A_192 = arith.constant 2500 : i32
    %lt3A_193 = arith.cmpi slt, %add3A_191, %lt3A_192 : i32
    %convert_element_type3A_194 = arith.extui %lt3A_193 : i1 to i32
    %cond3A_195 = arith.constant 0 : i32
    %cond3A_196 = arith.cmpi ne, %convert_element_type3A_194, %cond3A_195 : i32
    scf.if %cond3A_196 {
      %run_scoped3A_208 = arith.constant 0 : i32
      "tpu.region"() ({
        %run_scoped3A_209 = tpu.sem_alloc : memref<!tpu.dma_semaphore, #tpu.memory_space<semaphore_mem>>
        %dma_start3A_210 = arith.constant 0 : i32
        %dma_start3A_211 = tpu.memref_slice %arg7[%run_scoped3A_208, %dma_start3A_210] : memref<2x128xi32, #tpu.memory_space<vmem>> -> memref<1x128xi32, #tpu.memory_space<vmem>>
        %dma_start3A_212 = tpu.memref_squeeze %dma_start3A_211 : memref<1x128xi32, #tpu.memory_space<vmem>> -> memref<128xi32, #tpu.memory_space<vmem>>
        %dma_start3A_213 = arith.constant 0 : i32
        %dma_start3A_214 = arith.constant 0 : i32
        %dma_start3A_215 = tpu.memref_slice %arg6[%dma_start3A_213, %dma_start3A_214] : memref<10000x128xf32, #tpu.memory_space<vmem_shared>> -> memref<10000x128xf32, #tpu.memory_space<vmem_shared>>
        tpu.enqueue_indirect_dma source(%arg8 : memref<128x128xf32, #tpu.memory_space<vmem>>) target(%dma_start3A_215 : memref<10000x128xf32, #tpu.memory_space<vmem_shared>>) offsets(%dma_start3A_212 : memref<128xi32, #tpu.memory_space<vmem>>) semaphore(%run_scoped3A_209 : memref<!tpu.dma_semaphore, #tpu.memory_space<semaphore_mem>>) {add = true}
        %dma_wait3A_216 = arith.constant 0 : i32
        %dma_wait3A_217 = tpu.memref_slice %arg7[%run_scoped3A_208, %dma_wait3A_216] : memref<2x128xi32, #tpu.memory_space<vmem>> -> memref<1x128xi32, #tpu.memory_space<vmem>>
        %dma_wait3A_218 = tpu.memref_squeeze %dma_wait3A_217 : memref<1x128xi32, #tpu.memory_space<vmem>> -> memref<128xi32, #tpu.memory_space<vmem>>
        %dma_wait3A_219 = arith.constant 0 : i32
        %dma_wait3A_220 = arith.constant 0 : i32
        %dma_wait3A_221 = tpu.memref_slice %arg6[%dma_wait3A_219, %dma_wait3A_220] : memref<10000x128xf32, #tpu.memory_space<vmem_shared>> -> memref<10000x128xf32, #tpu.memory_space<vmem_shared>>
        tpu.wait_indirect_dma semaphore(%run_scoped3A_209 : memref<!tpu.dma_semaphore, #tpu.memory_space<semaphore_mem>>) src(%arg8 : memref<128x128xf32, #tpu.memory_space<vmem>>) dst(%dma_wait3A_221 : memref<10000x128xf32, #tpu.memory_space<vmem_shared>>)
        tpu.yield
      }) : () -> ()
    } else {
    }
    %barrier3A_197 = arith.constant 0 : index
    tpu.barrier barrier_id(%barrier3A_197)
    %eq3A_198 = arith.constant 0 : i32
    %eq3A_199 = arith.cmpi eq, %arg0, %eq3A_198 : i32
    %convert_element_type3A_200 = arith.extui %eq3A_199 : i1 to i32
    %cond3A_201 = arith.constant 0 : i32
    %cond3A_202 = arith.cmpi ne, %convert_element_type3A_200, %cond3A_201 : i32
    scf.if %cond3A_202 {
      "tpu.region"() ({
        %run_scoped3A_213 = tpu.sem_alloc : memref<!tpu.dma_semaphore, #tpu.memory_space<semaphore_mem>>
        %dma_start3A_214 = arith.constant 0 : i32
        %dma_start3A_215 = tpu.memref_slice %arg4[%mul3A_6, %dma_start3A_214] : memref<10000x128xf32, #tpu.memory_space<hbm>> -> memref<624x128xf32, #tpu.memory_space<hbm>>
        %dma_start3A_216 = arith.constant 0 : i32
        %dma_start3A_217 = tpu.memref_slice %arg6[%mul3A_6, %dma_start3A_216] : memref<10000x128xf32, #tpu.memory_space<vmem_shared>> -> memref<624x128xf32, #tpu.memory_space<vmem_shared>>
        tpu.enqueue_dma source(%dma_start3A_217 : memref<624x128xf32, #tpu.memory_space<vmem_shared>>) target(%dma_start3A_215 : memref<624x128xf32, #tpu.memory_space<hbm>>) target_semaphore(%run_scoped3A_213 : memref<!tpu.dma_semaphore, #tpu.memory_space<semaphore_mem>>)
        %dma_wait3A_218 = arith.constant 0 : i32
        %dma_wait3A_219 = tpu.memref_slice %arg4[%mul3A_6, %dma_wait3A_218] : memref<10000x128xf32, #tpu.memory_space<hbm>> -> memref<624x128xf32, #tpu.memory_space<hbm>>
        %dma_wait3A_220 = arith.constant 0 : i32
        %dma_wait3A_221 = tpu.memref_slice %arg6[%mul3A_6, %dma_wait3A_220] : memref<10000x128xf32, #tpu.memory_space<vmem_shared>> -> memref<624x128xf32, #tpu.memory_space<vmem_shared>>
        tpu.wait_dma2 semaphore(%run_scoped3A_213 : memref<!tpu.dma_semaphore, #tpu.memory_space<semaphore_mem>>) src(%dma_wait3A_221 : memref<624x128xf32, #tpu.memory_space<vmem_shared>>) dst(%dma_wait3A_219 : memref<624x128xf32, #tpu.memory_space<hbm>>)
        tpu.yield
      }) : () -> ()
      %eq3A_208 = arith.constant 0 : i32
      %eq3A_209 = arith.cmpi eq, %arg1, %eq3A_208 : i32
      %convert_element_type3A_210 = arith.extui %eq3A_209 : i1 to i32
      %cond3A_211 = arith.constant 0 : i32
      %cond3A_212 = arith.cmpi ne, %convert_element_type3A_210, %cond3A_211 : i32
      scf.if %cond3A_212 {
        "tpu.region"() ({
          %run_scoped3A_213 = tpu.sem_alloc : memref<!tpu.dma_semaphore, #tpu.memory_space<semaphore_mem>>
          %dma_start3A_214 = arith.constant 9984 : i32
          %dma_start3A_215 = arith.constant 0 : i32
          %dma_start3A_216 = tpu.memref_slice %arg4[%dma_start3A_214, %dma_start3A_215] : memref<10000x128xf32, #tpu.memory_space<hbm>> -> memref<16x128xf32, #tpu.memory_space<hbm>>
          %dma_start3A_217 = arith.constant 9984 : i32
          %dma_start3A_218 = arith.constant 0 : i32
          %dma_start3A_219 = tpu.memref_slice %arg6[%dma_start3A_217, %dma_start3A_218] : memref<10000x128xf32, #tpu.memory_space<vmem_shared>> -> memref<16x128xf32, #tpu.memory_space<vmem_shared>>
          tpu.enqueue_dma source(%dma_start3A_219 : memref<16x128xf32, #tpu.memory_space<vmem_shared>>) target(%dma_start3A_216 : memref<16x128xf32, #tpu.memory_space<hbm>>) target_semaphore(%run_scoped3A_213 : memref<!tpu.dma_semaphore, #tpu.memory_space<semaphore_mem>>)
          %dma_wait3A_220 = arith.constant 9984 : i32
          %dma_wait3A_221 = arith.constant 0 : i32
          %dma_wait3A_222 = tpu.memref_slice %arg4[%dma_wait3A_220, %dma_wait3A_221] : memref<10000x128xf32, #tpu.memory_space<hbm>> -> memref<16x128xf32, #tpu.memory_space<hbm>>
          %dma_wait3A_223 = arith.constant 9984 : i32
          %dma_wait3A_224 = arith.constant 0 : i32
          %dma_wait3A_225 = tpu.memref_slice %arg6[%dma_wait3A_223, %dma_wait3A_224] : memref<10000x128xf32, #tpu.memory_space<vmem_shared>> -> memref<16x128xf32, #tpu.memory_space<vmem_shared>>
          tpu.wait_dma2 semaphore(%run_scoped3A_213 : memref<!tpu.dma_semaphore, #tpu.memory_space<semaphore_mem>>) src(%dma_wait3A_225 : memref<16x128xf32, #tpu.memory_space<vmem_shared>>) dst(%dma_wait3A_222 : memref<16x128xf32, #tpu.memory_space<hbm>>)
          tpu.yield
        }) : () -> ()
      } else {
      }
    } else {
    }
    %eq3A_203 = arith.constant 1 : i32
    %eq3A_204 = arith.cmpi eq, %arg0, %eq3A_203 : i32
    %convert_element_type3A_205 = arith.extui %eq3A_204 : i1 to i32
    %cond3A_206 = arith.constant 0 : i32
    %cond3A_207 = arith.cmpi ne, %convert_element_type3A_205, %cond3A_206 : i32
    scf.if %cond3A_207 {
      "tpu.region"() ({
        %run_scoped3A_213 = tpu.sem_alloc : memref<!tpu.dma_semaphore, #tpu.memory_space<semaphore_mem>>
        %dma_start3A_214 = arith.constant 0 : i32
        %dma_start3A_215 = tpu.memref_slice %arg5[%mul3A_6, %dma_start3A_214] : memref<10000x128xf32, #tpu.memory_space<hbm>> -> memref<624x128xf32, #tpu.memory_space<hbm>>
        %dma_start3A_216 = arith.constant 0 : i32
        %dma_start3A_217 = tpu.memref_slice %arg6[%mul3A_6, %dma_start3A_216] : memref<10000x128xf32, #tpu.memory_space<vmem_shared>> -> memref<624x128xf32, #tpu.memory_space<vmem_shared>>
        tpu.enqueue_dma source(%dma_start3A_217 : memref<624x128xf32, #tpu.memory_space<vmem_shared>>) target(%dma_start3A_215 : memref<624x128xf32, #tpu.memory_space<hbm>>) target_semaphore(%run_scoped3A_213 : memref<!tpu.dma_semaphore, #tpu.memory_space<semaphore_mem>>)
        %dma_wait3A_218 = arith.constant 0 : i32
        %dma_wait3A_219 = tpu.memref_slice %arg5[%mul3A_6, %dma_wait3A_218] : memref<10000x128xf32, #tpu.memory_space<hbm>> -> memref<624x128xf32, #tpu.memory_space<hbm>>
        %dma_wait3A_220 = arith.constant 0 : i32
        %dma_wait3A_221 = tpu.memref_slice %arg6[%mul3A_6, %dma_wait3A_220] : memref<10000x128xf32, #tpu.memory_space<vmem_shared>> -> memref<624x128xf32, #tpu.memory_space<vmem_shared>>
        tpu.wait_dma2 semaphore(%run_scoped3A_213 : memref<!tpu.dma_semaphore, #tpu.memory_space<semaphore_mem>>) src(%dma_wait3A_221 : memref<624x128xf32, #tpu.memory_space<vmem_shared>>) dst(%dma_wait3A_219 : memref<624x128xf32, #tpu.memory_space<hbm>>)
        tpu.yield
      }) : () -> ()
      %eq3A_208 = arith.constant 0 : i32
      %eq3A_209 = arith.cmpi eq, %arg1, %eq3A_208 : i32
      %convert_element_type3A_210 = arith.extui %eq3A_209 : i1 to i32
      %cond3A_211 = arith.constant 0 : i32
      %cond3A_212 = arith.cmpi ne, %convert_element_type3A_210, %cond3A_211 : i32
      scf.if %cond3A_212 {
        "tpu.region"() ({
          %run_scoped3A_213 = tpu.sem_alloc : memref<!tpu.dma_semaphore, #tpu.memory_space<semaphore_mem>>
          %dma_start3A_214 = arith.constant 9984 : i32
          %dma_start3A_215 = arith.constant 0 : i32
          %dma_start3A_216 = tpu.memref_slice %arg5[%dma_start3A_214, %dma_start3A_215] : memref<10000x128xf32, #tpu.memory_space<hbm>> -> memref<16x128xf32, #tpu.memory_space<hbm>>
          %dma_start3A_217 = arith.constant 9984 : i32
          %dma_start3A_218 = arith.constant 0 : i32
          %dma_start3A_219 = tpu.memref_slice %arg6[%dma_start3A_217, %dma_start3A_218] : memref<10000x128xf32, #tpu.memory_space<vmem_shared>> -> memref<16x128xf32, #tpu.memory_space<vmem_shared>>
          tpu.enqueue_dma source(%dma_start3A_219 : memref<16x128xf32, #tpu.memory_space<vmem_shared>>) target(%dma_start3A_216 : memref<16x128xf32, #tpu.memory_space<hbm>>) target_semaphore(%run_scoped3A_213 : memref<!tpu.dma_semaphore, #tpu.memory_space<semaphore_mem>>)
          %dma_wait3A_220 = arith.constant 9984 : i32
          %dma_wait3A_221 = arith.constant 0 : i32
          %dma_wait3A_222 = tpu.memref_slice %arg5[%dma_wait3A_220, %dma_wait3A_221] : memref<10000x128xf32, #tpu.memory_space<hbm>> -> memref<16x128xf32, #tpu.memory_space<hbm>>
          %dma_wait3A_223 = arith.constant 9984 : i32
          %dma_wait3A_224 = arith.constant 0 : i32
          %dma_wait3A_225 = tpu.memref_slice %arg6[%dma_wait3A_223, %dma_wait3A_224] : memref<10000x128xf32, #tpu.memory_space<vmem_shared>> -> memref<16x128xf32, #tpu.memory_space<vmem_shared>>
          tpu.wait_dma2 semaphore(%run_scoped3A_213 : memref<!tpu.dma_semaphore, #tpu.memory_space<semaphore_mem>>) src(%dma_wait3A_225 : memref<16x128xf32, #tpu.memory_space<vmem_shared>>) dst(%dma_wait3A_222 : memref<16x128xf32, #tpu.memory_space<hbm>>)
          tpu.yield
        }) : () -> ()
      } else {
      }
    } else {
    }
    return
  }
}

module attributes {stable_mosaic.version = 14 : i64} {
  func.func @_tc_combine_body(%arg0: i32, %arg1: memref<10000x128xf32, #tpu.memory_space<vmem>>, %arg2: memref<10000x128xf32, #tpu.memory_space<vmem>>, %arg3: memref<10000x128xf32, #tpu.memory_space<vmem>>) attributes {dimension_semantics = [#tpu.dimension_semantics<arbitrary>], iteration_bounds = array<i64: 1>, scalar_prefetch = 0 : i64, scratch_operands = 0 : i64, tpu.core_type = #tpu.core_type<tc>, window_params = [{transform_indices = @transform_0, window_bounds = array<i64: 10000, 128>}, {transform_indices = @transform_1, window_bounds = array<i64: 10000, 128>}, {transform_indices = @transform_2, window_bounds = array<i64: 10000, 128>}]} {
    %get3A = arith.constant 0 : index
    %get3A_0 = arith.constant 0 : index
    %get3A_1 = vector.load %arg1[%get3A, %get3A_0] : memref<10000x128xf32, #tpu.memory_space<vmem>>, vector<10000x128xf32>
    %get3A_2 = arith.constant 0 : index
    %get3A_3 = arith.constant 0 : index
    %get3A_4 = vector.load %arg2[%get3A_2, %get3A_3] : memref<10000x128xf32, #tpu.memory_space<vmem>>, vector<10000x128xf32>
    %add3A = arith.addf %get3A_1, %get3A_4 : vector<10000x128xf32>
    %mul3A = arith.constant 0.176776692 : f32
    %mul3A_5 = vector.broadcast %mul3A : f32 to vector<10000x128xf32>
    %mul3A_6 = arith.mulf %add3A, %mul3A_5 : vector<10000x128xf32>
    %swap3A = arith.constant 0 : index
    %swap3A_7 = arith.constant 0 : index
    %swap3A_8 = vector.load %arg3[%swap3A, %swap3A_7] : memref<10000x128xf32, #tpu.memory_space<vmem>>, vector<10000x128xf32>
    tpu.vector_store %arg3[%swap3A, %swap3A_7], %mul3A_6 {strides = array<i32>} : memref<10000x128xf32, #tpu.memory_space<vmem>>, vector<10000x128xf32>,
    return
  }
  func.func @transform_0(%arg0: i32) -> (i32, i32) {
    %c0_i32 = arith.constant 0 : i32
    %c0_i32_0 = arith.constant 0 : i32
    return %arg0, %c0_i32 : i32, i32
  }
  func.func @transform_1(%arg0: i32) -> (i32, i32) {
    %c0_i32 = arith.constant 0 : i32
    %c0_i32_0 = arith.constant 0 : i32
    return %arg0, %c0_i32 : i32, i32
  }
  func.func @transform_2(%arg0: i32) -> (i32, i32) {
    %c0_i32 = arith.constant 0 : i32
    %c0_i32_0 = arith.constant 0 : i32
    return %arg0, %c0_i32 : i32, i32
  }
}

</mosaic_0001>

<sc_bundles>
// kernel: kernel.4.cloned.1.call-start
scs
__scs_entry_jumppad:
0x0: {  	(pc) =	sbr.rel $0x88, $3  }
0x1: {  	(tag) =	ssettag $0x0;
	lr =	simm.s32 $0x1  }
0x2: {  	[smem:$0x3F9F] =	sst lr;
	_ =	strace $0xD0000000  }
0x3: {  	_ = 	snop  }
0x4: {  	_ = 	snop  }
0x5: {  	_ = 	snop  }
0x6: {  	_ = 	snop  }
0x7: {  	_ = 	snop  }
__scs_overlays_trampoline_lowered:
0x8: {  	[smem:$0x3FAE] =	sst s0  }
0x9: {  	[smem:$0x3FAF] =	sst s1  }
0xa: {  	[smem:$0x3FB0] =	sst s2  }
0xb: {  	[smem:$0x3FB1] =	sst s3  }
0xc: {  	[smem:$0x3FB2] =	sst s4  }
0xd: {  	[smem:$0x3FB3] =	sst s5  }
0xe: {  	[smem:$0x3FB4] =	sst s6  }
0xf: {  	[smem:$0x3FB5] =	sst s7  }
0x10: {  	[smem:$0x3FB6] =	sst s8  }
0x11: {  	[smem:$0x3FB7] =	sst s9;
	s0 =	simm.s32 @!p0 $0x0  }
0x12: {  	s1 =	sld [smem:$0x3F9D];
	s0 =	simm.s32 @p0 $0x1  }
0x13: {  	[smem:$0x3FB8] =	sst s0;
	s0 =	simm.s32 @!p1 $0x0  }
0x14: {  	s2 =	sld [smem:$0x3F9C];
	s0 =	simm.s32 @p1 $0x1  }
0x15: {  	[smem:$0x3FB9] =	sst s0;
	s0 =	simm.s32 @!p2 $0x0  }
0x16: {  	s3 =	sld [smem:$0x3FDB];
	s0 =	simm.s32 @p2 $0x1  }
0x17: {  	s4 =	simm.s32 $0x1BF5;
	[smem:$0x3FBB] =	sst s0  }
0x18: {  	s0 =	sld [smem:$0x3F9E];
	_ =	swait.ge [sflag:s4], $0x0  }
0x19: {  	s7 =	sld [smem:$0x3F9F]  }
0x1a: {  	s8 =	sadd.s32 $0xFFFFE003, lr  }
0x1b: {  	s9 =	sadd.s32 $0xFFFFFEF7, lr;
	s5 =	simm.s32 $0xFFFFFFFF;
	p2 =	slt.u32 s8, $0xFFFFF086  }
0x1c: {  	p1 =	slt.u32 s9, $0xF7A;
	s5 =	simm.s32 @!p2 $0x0  }
0x1d: {  	s5 =	simm.s32 @p1 $0x1;
	p0 =	seq.s32 s7, s2  }
0x1e: {  	s7 =	smul.u32 @!p0 $0xF7A, s2;
	p2 =	seq.s32 @!p0 s5, $0x0  }
0x1f: {  	s9 =	smul.u32 $0xF7A, s1;
	s8 =	simm.s32 @!p0 $0x1BF5;
	p2 =	por !p2, p0  }
0x20: {  	[sflag:s8] =	ssyncset.s32 @!p0 $0xFFFFF086;
	s6 =	sadd.s32 @!p0 s3, s7;
	s7 =	simm.s32 @!p0 $0x108  }
0x21: {  	s3 =	sadd.s32 s3, s9;
	s6 =	sadd.s32 @!p0 $0x88, s6;
	s7 =	simm.s32 @p2 $0x1082  }
0x22: {  	[simem:s7], [sflag:s8] =	dma.local @!p0 [hbm:s6], $0xF7A  }
0x23: {  	s9 =	sor.u32 $0xD0000000, s2;
	s6 =	simm.s32 $0x108;
	_ =	swait.ge @!p0 [sflag:s8], $0x0  }
0x24: {  	s3 =	sadd.s32 $0x88, s3;
	s6 =	simm.s32 @!p1 $0x1082;
	[sflag:s4] =	ssyncset.s32 $0xFFFFF086  }
0x25: {  	[simem:s6], [sflag:s4] =	dma.local [hbm:s3], $0xF7A  }
0x26: {  	[smem:$0x3F9F] =	sst s1;
	(tag) =	ssettag s2;
	_ =	strace s9  }
0x27: {  	s1 =	sld [smem:$0x3FAF]  }
0x28: {  	s2 =	sld [smem:$0x3FB0]  }
0x29: {  	s4 =	sld [smem:$0x3FB2]  }
0x2a: {  	p0 =	seq.s32 s5, $0x0;
	s5 =	sld [smem:$0x3FB3]  }
0x2b: {  	s6 =	sld [smem:$0x3FB4]  }
0x2c: {  	s7 =	sld [smem:$0x3FB5]  }
0x2d: {  	s3 =	simm.s32 $0x108;
	s8 =	sld [smem:$0x3FB6]  }
0x2e: {  	s3 =	simm.s32 @!p0 $0x1082;
	s9 =	sld [smem:$0x3FB7]  }
0x2f: {  	lr =	sadd.s32 s0, s3;
	s0 =	sld [smem:$0x3FAE]  }
0x30: {  	s3 =	sld [smem:$0x3FB1]  }
0x31: {  	[smem:$0x3FBA] =	sst s10  }
0x32: {  	s10 =	sld [smem:$0x3FB8];
	_ =	sdelay $0x3  }
0x33: {  	p0 =	seq.s32 s10, $0x1;
	s10 =	sld [smem:$0x3FBA];
	_ =	sdelay $0x3  }
0x34: {  	[smem:$0x3FBA] =	sst s10  }
0x35: {  	s10 =	sld [smem:$0x3FB9];
	_ =	sdelay $0x3  }
0x36: {  	p1 =	seq.s32 s10, $0x1;
	s10 =	sld [smem:$0x3FBA];
	_ =	sdelay $0x3  }
0x37: {  	[smem:$0x3FBA] =	sst s10  }
0x38: {  	s10 =	sld [smem:$0x3FBB]  }
0x39: {  	_ = 	snop;
	(pc) =	sbr.ind lr, $3  }
0x3a: {  	_ = 	snop  }
0x3b: {  	_ = 	snop  }
0x3c: {  	p2 =	seq.s32 s10, $0x1;
	s10 =	sld [smem:$0x3FBA]  }
0x3d: {  	_ =	shalt  }
0x3e: {  	_ =	shalt  }
0x3f: {  	_ =	shalt  }
0x40: {  	_ =	shalt  }
0x41: {  	_ =	shalt  }
0x42: {  	_ =	shalt  }
0x43: {  	_ =	shalt  }
0x44: {  	_ =	shalt  }
0x45: {  	_ =	shalt  }
0x46: {  	_ =	shalt  }
0x47: {  	_ =	shalt  }
0x48: {  	_ =	shalt  }
0x49: {  	_ =	shalt  }
0x4a: {  	_ =	shalt  }
0x4b: {  	_ =	shalt  }
0x4c: {  	_ =	shalt  }
0x4d: {  	_ =	shalt  }
0x4e: {  	_ =	shalt  }
0x4f: {  	_ =	shalt  }
0x50: {  	_ =	shalt  }
0x51: {  	_ =	shalt  }
0x52: {  	_ =	shalt  }
0x53: {  	_ =	shalt  }
0x54: {  	_ =	shalt  }
0x55: {  	_ =	shalt  }
0x56: {  	_ =	shalt  }
0x57: {  	_ =	shalt  }
0x58: {  	_ =	shalt  }
0x59: {  	_ =	shalt  }
0x5a: {  	_ =	shalt  }
0x5b: {  	_ =	shalt  }
0x5c: {  	_ =	shalt  }
0x5d: {  	_ =	shalt  }
0x5e: {  	_ =	shalt  }
0x5f: {  	_ =	shalt  }
0x60: {  	_ =	shalt  }
0x61: {  	_ =	shalt  }
0x62: {  	_ =	shalt  }
0x63: {  	_ =	shalt  }
0x64: {  	_ =	shalt  }
0x65: {  	_ =	shalt  }
0x66: {  	_ =	shalt  }
0x67: {  	_ =	shalt  }
0x68: {  	_ =	shalt  }
0x69: {  	_ =	shalt  }
0x6a: {  	_ =	shalt  }
0x6b: {  	_ =	shalt  }
0x6c: {  	_ =	shalt  }
0x6d: {  	_ =	shalt  }
0x6e: {  	_ =	shalt  }
0x6f: {  	_ =	shalt  }
0x70: {  	_ =	shalt  }
0x71: {  	_ =	shalt  }
0x72: {  	_ =	shalt  }
0x73: {  	_ =	shalt  }
0x74: {  	_ =	shalt  }
0x75: {  	_ =	shalt  }
0x76: {  	_ =	shalt  }
0x77: {  	_ =	shalt  }
0x78: {  	_ =	shalt  }
0x79: {  	_ =	shalt  }
0x7a: {  	_ =	shalt  }
0x7b: {  	_ =	shalt  }
0x7c: {  	_ =	shalt  }
0x7d: {  	_ =	shalt  }
0x7e: {  	_ =	shalt  }
0x7f: {  	_ =	shalt  }
0x80: {  	_ =	shalt  }
0x81: {  	_ =	shalt  }
0x82: {  	_ =	shalt  }
0x83: {  	_ =	shalt  }
0x84: {  	_ =	shalt  }
0x85: {  	_ =	shalt  }
0x86: {  	_ =	shalt  }
0x87: {  	_ =	shalt  }
.Lfunc_end0:
.L_simem_size_0:
called_computation_lowered:
.L_overlay_start_0:
0x88: {  	s2 =	sld [smem:$0x3FD9]  }
0x89: {  	s3 =	sld [smem:$0x3FFE];
	_ =	sdelay $0x1  }
0x8a: {  	s1 =	srdreg.scid  }
0x8b: {  	s0 =	sand.u32 $0x1, s1  }
0x8c: {  	s17 =	sshll.u32 s0, $0xA;
	s2 =	sadd.s32 s3, s2  }
0x8d: {  	s2 =	sadd.s32 s2, s17  }
0x8e: {  	[smem:$0x3FC6] =	sst s2  }
0x8f: {  	_ = 	snop  }
0x90: {  	s2 =	sld [smem:$0x3FC9]  }
0x91: {  	s18 =	sld [smem:$0x3FC8]  }
0x92: {  	s4 =	sld [smem:$0x3FD0];
	(tm) =	ssettm $0x1  }
0x93: {  	s5 =	sld [smem:$0x3FFB];
	_ =	sdelay $0x3  }
0x94: {  	_ =	strace s5  }
0x95: {  	s5 =	sld [smem:$0x3FFC];
	_ =	sdelay $0x3  }
0x96: {  	_ =	strace s5  }
0x97: {  	s5 =	sld [smem:$0x3FFD];
	_ =	sdelay $0x3  }
0x98: {  	_ =	strace s5  }
0x99: {  	_ =	strace $0x8FFFFFFF  }
0x9a: {  	s19 =	sld [smem:$0x3FDB];
	_ =	sdelay $0x1  }
0x9b: {  	s6 =	simm.s32 $_scs_section_size  }
0x9c: {  	s7 =	simm.s32 $_size__tile_overlayer_lowered;
	s8 =	simm.s32 $_tile_overlayer_lowered  }
0x9d: {  	s22 =	simm.s32 $0x1BFF;
	s21 =	sshll.u32 s8, $0x1;
	s5 =	sadd.s32 s6, s19  }
0x9e: {  	s9 =	simm.s32 $0x0;
	s20 =	sshll.u32 s7, $0x1;
	s7 =	sadd.s32 s21, s5  }
0x9f: {  	[timem:s9], [sflag:s22] =	dma.local [hbm:s7], s20  }
0xa0: {  	_ =	swait.ge [sflag:s22], s20  }
0xa1: {  	s6 =	ssub.s32 $0x0, s20;
	[sflag:s22] =	ssyncset.done $0x0  }
0xa2: {  	[sflag:s22] =	ssyncadd.s32 s6;
	_ =	sdelay $0x1  }
0xa3: {  	s23 =	simm.s32 $0x1B8B  }
0xa4: {  	_ =	swait.ge [sflag:s23], $0x1  }
0xa5: {  	[sflag:s23] =	ssyncset.done $0x0  }
0xa6: {  	s25 =	simm.s32 $0x1B8E;
	s24 =	sld [smem:$0x3FFE];
	[sflag:s23] =	ssyncadd.s32 $0xFFFFFFFF  }
0xa7: {  	s26 =	simm.s32 $execute0_lowered;
	[smem:$0x3FD2] =	sst s25  }
0xa8: {  	s7 =	sshll.u32 s26, $0x1;
	_ =	strace $0x80000046;
	[dreg:$0x1] =	wrdreg $0xFFFFFFFF  }
0xa9: {  	s28 =	simm.s32 $_size_execute0_lowered;
	s5 =	sadd.s32 s5, s7;
	[dreg:$0x0] =	wrdreg $0x0  }
0xaa: {  	s7 =	sshll.u32 s28, $0x1;
	[dreg:$0x2] =	wrdreg s5  }
0xab: {  	[dreg:$0x3] =	wrdreg s7  }
0xac: {  	[dreg:$0x4] =	wrdreg $0xC0  }
0xad: {  	_ =	task [dreg:s9], $0x5FFFF  }
0xae: {  	[dreg:$0x1] =	wrdreg $0xFFFFFFFF  }
0xaf: {  	[dreg:$0x0] =	wrdreg $0x60  }
0xb0: {  	[dreg:$0x2] =	wrdreg s2  }
0xb1: {  	[dreg:$0x3] =	wrdreg s18  }
0xb2: {  	[dreg:$0x4] =	wrdreg s4  }
0xb3: {  	[dreg:$0x5] =	wrdreg s24  }
0xb4: {  	[dreg:$0x6] =	wrdreg $0x0  }
0xb5: {  	[dreg:$0x7] =	wrdreg $0x9  }
0xb6: {  	_ =	task.clear_ibuf [dreg:s9], $0x8FFFF;
	_ =	strace $0x90000046  }
0xb7: {  	s29 =	simm.s32 $0x9;
	_ =	strace $0x80000048  }
0xb8: {  	_ =	swait.ge [sflag:s29], $0x1  }
0xb9: {  	[sflag:s29] =	ssyncadd.s32 $0xFFFFFFFF  }
0xba: {  	_ =	strace $0x90000048  }
0xbb: {  	_ =	sfence  }
0xbc: {  	s30 =	sld [smem:$0x0];
	_ =	sdelay $0x2  }
0xbd: {  	s31 =	sshll.u32 s1, $0xD;
	s1 =	sshrl.u32 s1, $0x2  }
0xbe: {  	s3 =	sand.u32 $0x4000, s31;
	s1 =	sadd.s32 s1, s30  }
0xbf: {  	s0 =	sor.u32 s3, s0;
	s1 =	sshll.u32 s1, $0x11  }
0xc0: {  	s0 =	sor.u32 s1, s0  }
0xc1: {  	s0 =	sadd.s32 $0x8F2B, s0  }
0xc2: {  	[sflag:s0] =	ssyncadd.remote.s32 $0x1  }
0xc3: {  	_ =	sfence.sel $0xFFFF  }
0xc4: {  	[dreg:$0x0] =	wrdreg $0xFFFFFFFF;
	(pc) =	sbr.abs _section_cstart, $3  }
0xc5: {  	[dreg:$0x1] =	wrdreg $0xFFFFFFFF  }
0xc6: {  	_ =	task.clear_ibuf [dreg:s9], $0x2FFFF;
	_ =	strace $0x9FFFFFFF  }
0xc7: {  	(tm) =	ssettm $0x7FFFFFFF  }
tec
execute0_lowered:
.L_overlay_start_1:
0x0: {  	(tag) =	ssettag $0x1  }
0x1: {  	s0 =	rddreg [dreg:$0x0]  }
0x2: {  	s1 =	rddreg [dreg:$0x1]  }
0x3: {  	s9 =	rddreg [dreg:$0x2]  }
0x4: {  	s4 =	rddreg [dreg:$0x3]  }
0x5: {  	s2 =	rddreg [dreg:$0x4]  }
0x6: {  	s3 =	simm.s32 $0x0;
	s5 =	srdreg.scid;
	s10 =	stileid.u32  }
0x7: {  	s28 =	simm.s32 $0x13980;
	s29 =	simm.s32 $0x3;
	s30 =	simm.s32 $0x13900  }
0x8: {  	s31 =	simm.s32 $0x1;
	[smem:$0x7FF] =	sst s3;
	s5 =	sand.u32 $0x1, s5  }
0x9: {  	s6 =	smul.u32 $0x4E000, s10;
	s20 =	sadd.s32 $0xC00, s4;
	s8 =	sshll.u32 s10, $0x1  }
0xa: {  	s11 =	sadd.s32 $0x138000, s2;
	s22 =	sshll.u32 s10, $0xC;
	s23 =	smul.u32 $0x2700, s10  }
0xb: {  	p1 =	sne.s32 s10, $0x0;
	p2 =	sgt.u32 s10, $0x1;
	p3 =	seq.s32 s10, $0x0  }
0xc: {  	_ =	strace $0x80000047;
	s14 =	ssub.s32 $0x2, s5;
	s15 =	sor.u32 s5, s8  }
0xd: {  	p0 =	seq.s32 s5, $0x1;
	[dreg:$0x6] =	wrdreg s20;
	s7 =	sshrl.u32 s14, $0x1  }
0xe: {  	s6 =	sshrl.u32 s6, $0x2;
	s21 =	sshll.u32 s15, $0x4;
	s13 =	sshll.u32 s15, $0xB  }
0xf: {  	s25 =	sadd.s32 s9, s23;
	s26 =	sadd.s32 s20, s23;
	s4 =	ssub.s32 s14, s7  }
0x10: {  	s6 =	sadd.s32 s6, s2;
	s14 =	sand.u32 $0x70, s21;
	s7 =	sor.u32 $0x9A0, s15  }
0x11: {  	s12 =	sadd.s32 s1, s21;
	s13 =	sadd.s32 s0, s13;
	[dreg:$0xc] =	wrdreg s25  }
0x12: {  	s24 =	sor.u32 $0x200, s21;
	s8 =	sor.u32 $0x400, s21;
	[dreg:$0xd] =	wrdreg s26  }
0x13: {  	s25 =	simm.s32 $0x17980;
	s26 =	simm.s32 $0x13880;
	s16 =	sadd.s32 $0x4000, s6  }
0x14: {  	s17 =	sadd.s32 $0x8000, s6;
	s18 =	sadd.s32 $0xC000, s6;
	[dreg:$0x7] =	wrdreg s16  }
0x15: {  	s19 =	sadd.s32 $0x10000, s6;
	s15 =	sshll.u32 s7, $0x4;
	[dreg:$0x8] =	wrdreg s17  }
0x16: {  	s14 =	sadd.s32 s1, s14;
	s7 =	sshll.u32 s7, $0xB;
	[dreg:$0x9] =	wrdreg s18  }
0x17: {  	s8 =	sand.u32 $0x580, s8;
	s20 =	smax.u32 s4, $0x1;
	[dreg:$0xa] =	wrdreg s19  }
0x18: {  	s15 =	sand.u32 $0x9B80, s15;
	s16 =	sadd.s32 $0x9C00, s12;
	s17 =	sshll.u32 s5, $0xB  }
0x19: {  	s19 =	sshll.u32 s10, $0x5;
	s5 =	sshll.u32 s5, $0x4;
	s14 =	sadd.s32 s15, s14  }
0x1a: {  	s15 =	sadd.s32 s0, s7;
	s18 =	sor.u32 s17, s22;
	s5 =	sor.u32 s5, s19  }
0x1b: {  	s7 =	sand.u32 $0x380, s24;
	[dreg:$0xb] =	wrdreg s14;
	s18 =	sadd.s32 s18, s0  }
.Ltmp0:
0x1c: {  	s0 =	sadd.s32 s22, s0;
	s7 =	sadd.s32 s7, s1;
	(pc) =	sbr.rel .LBB2_1-.Ltmp0, $4  }
0x1d: {  	s1 =	sadd.s32 s8, s1;
	s5 =	sand.u32 $0x70, s5;
	s0 =	sadd.s32 s17, s0  }
0x1e: {  	s17 =	sadd.s32 $0x4E0000, s13;
	s21 =	sadd.s32 $0x10000, s18;
	s22 =	sadd.s32 s5, s7  }
0x1f: {  	s24 =	sadd.s32 s5, s1;
	s1 =	simm.s32 $0x4;
	s5 =	simm.s32 $0x2  }
0x20: {  	v0 =	vimm.f32 $0.0e+00;
	s18 =	simm.s32 $0x0;
	s23 =	sadd.s32 $0x20000, s0;
	s0 =	simm.s32 $0x80  }
.LBB2_8:
0x21: {  	s7 =	sadd.s32 $0x27000, s7;
	s8 =	sshrl.u32 s11, $0x3  }
0x22: {  	[hbm:s7], [sflag:s4] =	dma.local [spmem:s8], $0x100  }
0x23: {  	_ =	swait.ge [sflag:s1], $0x100  }
0x24: {  	[sflag:s1] =	ssyncset.done $0x0  }
0x25: {  	[sflag:s1] =	ssyncadd.s32 $0xFFFFFF00  }
.LBB2_9:
0x26: {  	s18 =	sadd.s32 $0x1, s18  }
0x27: {  	p4 =	sne.s32 s18, s20  }
.Ltmp1:
0x28: {  	_ = 	snop;
	(pc) =	sbr.rel @!p4 .LBB2_10-.Ltmp1, $1  }
0x29: {  	_ =	sdelay $0x3  }
.LBB2_1:
0x2a: {  	s4 =	simm.s32 $0x0;
	s7 =	simm.s32 $0x200  }
.LBB2_2:
0x2b: {  	p4 =	sne.s32 s7, $0xFE00;
	[tilespmem:s4+$0x179F0] =	vst v0  }
0x2c: {  	[tilespmem:s4+$0x17980] =	vst v0  }
0x2d: {  	[tilespmem:s4+$0x17990] =	vst v0  }
.Ltmp2:
0x2e: {  	[tilespmem:s4+$0x179A0] =	vst v0;
	(pc) =	sbr.rel @p4 .LBB2_2-.Ltmp2, $4  }
0x2f: {  	[tilespmem:s4+$0x179B0] =	vst v0  }
0x30: {  	[tilespmem:s4+$0x179C0] =	vst v0  }
0x31: {  	[tilespmem:s4+$0x179D0] =	vst v0  }
0x32: {  	[tilespmem:s4+$0x179E0] =	vst v0;
	s4 =	sshra.s32 s7, $0x2;
	s7 =	sadd.s32 $0x200, s7  }
0x33: {  	[tilespmem:s4+$0x179F0] =	vst v0  }
0x34: {  	[tilespmem:s4+$0x17980] =	vst v0  }
0x35: {  	[tilespmem:s4+$0x17990] =	vst v0  }
0x36: {  	[tilespmem:s4+$0x179A0] =	vst v0  }
0x37: {  	[tilespmem:s4+$0x179B0] =	vst v0  }
0x38: {  	[tilespmem:s4+$0x179C0] =	vst v0  }
0x39: {  	[tilespmem:s4+$0x179D0] =	vst v0  }
0x3a: {  	[tilespmem:s4+$0x179E0] =	vst v0  }
0x3b: {  	[spmem:s6] =	stream.linear.scatter [tilespmem:s25], [sflag:$0x3], $0x4000, $0x38;
	[tilespmem:$0x1B980] =	vst v63  }
0x3c: {  	s7 =	rddreg [dreg:$0x7]  }
0x3d: {  	[spmem:s7] =	stream.linear.scatter [tilespmem:s25], [sflag:$0x3], $0x4000, $0x38;
	[tilespmem:$0x1B980] =	vst v63  }
0x3e: {  	s8 =	rddreg [dreg:$0x8]  }
0x3f: {  	[spmem:s8] =	stream.linear.scatter [tilespmem:s25], [sflag:$0x3], $0x4000, $0x38;
	[tilespmem:$0x1B980] =	vst v63  }
0x40: {  	s9 =	rddreg [dreg:$0x9]  }
0x41: {  	[spmem:s9] =	stream.linear.scatter [tilespmem:s25], [sflag:$0x3], $0x4000, $0x38;
	[tilespmem:$0x1B980] =	vst v63  }
0x42: {  	s10 =	rddreg [dreg:$0xa]  }
0x43: {  	[spmem:s10] =	stream.linear.scatter [tilespmem:s25], [sflag:$0x3], $0x3800, $0x38;
	[tilespmem:$0x1B980] =	vst v63  }
0x44: {  	s4 =	simm.s32 @!p1 $0x17980  }
0x45: {  	[spmem:s11] =	stream.linear.scatter @!p1 [tilespmem:s4], [sflag:$0x3], $0x800, $0x38;
	[tilespmem:$0x1B980] =	vst v63  }
0x46: {  	_ = 	snop  }
0x47: {  	[tilespmem:s26], [sflag:$0x1] =	stream.linear.gather [hbm4b:s12+s3], $0x80, $0x38;
	[tilespmem:$0x1B980] =	vst v63  }
0x48: {  	_ = 	snop  }
0x49: {  	[tilespmem:s28], [sflag:$0x1] =	stream.linear.gather [hbm4b:s13+s3], $0x4000, $0x38;
	[tilespmem:$0x1B980] =	vst v63  }
0x4a: {  	_ =	swait.ge [sflag:s29], $0x4000  }
0x4b: {  	[sflag:s29] =	ssyncset.done $0x0  }
0x4c: {  	[sflag:s29] =	ssyncadd.s32 $0xFFFFC000  }
0x4d: {  	_ =	swait.ge [sflag:s29], $0x4000  }
0x4e: {  	[sflag:s29] =	ssyncset.done $0x0  }
0x4f: {  	[sflag:s29] =	ssyncadd.s32 $0xFFFFC000  }
0x50: {  	_ =	swait.ge [sflag:s29], $0x4000  }
0x51: {  	[sflag:s29] =	ssyncset.done $0x0  }
0x52: {  	[sflag:s29] =	ssyncadd.s32 $0xFFFFC000  }
0x53: {  	_ =	swait.ge [sflag:s29], $0x4000  }
0x54: {  	[sflag:s29] =	ssyncset.done $0x0  }
0x55: {  	[sflag:s29] =	ssyncadd.s32 $0xFFFFC000  }
0x56: {  	_ =	swait.ge [sflag:s29], $0x3800  }
0x57: {  	[sflag:s29] =	ssyncset.done $0x0  }
0x58: {  	s4 =	simm.s32 @!p1 $0x3;
	[sflag:s29] =	ssyncadd.s32 $0xFFFFC800  }
0x59: {  	_ =	swait.ge @!p1 [sflag:s4], $0x800  }
0x5a: {  	[sflag:s4] =	ssyncset.done @!p1 $0x0  }
0x5b: {  	[sflag:s4] =	ssyncadd.s32 @!p1 $0xFFFFF800  }
0x5c: {  	s14 =	sadd.s32 $0x0, s22;
	[bflag:$0x0] =	sbarrier.arrive $0xFFFF  }
0x5d: {  	[tilespmem:s30], [sflag:$0x2] =	stream.linear.gather [hbm4b:s14+s3], $0x80, $0x38;
	[tilespmem:$0x1B980] =	vst v63  }
0x5e: {  	_ = 	snop  }
0x5f: {  	[tilespmem:s25], [sflag:$0x2] =	stream.linear.gather [hbm4b:s21+s3], $0x4000, $0x38;
	[tilespmem:$0x1B980] =	vst v63  }
0x60: {  	_ =	swait.ge [sflag:s31], $0x80  }
0x61: {  	[sflag:s31] =	ssyncset.done $0x0  }
0x62: {  	[sflag:s31] =	ssyncadd.s32 $0xFFFFFF80  }
0x63: {  	_ =	swait.ge [sflag:s31], $0x4000  }
0x64: {  	[sflag:s31] =	ssyncset.done $0x0  }
0x65: {  	[sflag:s31] =	ssyncadd.s32 $0xFFFFC000  }
0x66: {  	[spmem:s2] =	stream.indirect.scatter.add.f32 [tilespmem:s28], [sflag:$0x4], $0x80, s26, s0, $0xb8;
	[tilespmem:$0x1B980] =	vst v63  }
0x67: {  	_ =	swait.ge [sflag:s1], $0x4000  }
0x68: {  	[sflag:s1] =	ssyncset.done $0x0  }
0x69: {  	s19 =	sadd.s32 $0x0, s24;
	[sflag:s1] =	ssyncadd.s32 $0xFFFFC000  }
0x6a: {  	[tilespmem:s26], [sflag:$0x1] =	stream.linear.gather [hbm4b:s19+s3], $0x80, $0x38;
	[tilespmem:$0x1B980] =	vst v63  }
0x6b: {  	_ = 	snop  }
0x6c: {  	[tilespmem:s28], [sflag:$0x1] =	stream.linear.gather [hbm4b:s23+s3], $0x4000, $0x38;
	[tilespmem:$0x1B980] =	vst v63  }
0x6d: {  	_ =	swait.ge [sflag:s5], $0x80  }
0x6e: {  	[sflag:s5] =	ssyncset.done $0x0  }
0x6f: {  	[sflag:s5] =	ssyncadd.s32 $0xFFFFFF80  }
0x70: {  	_ =	swait.ge [sflag:s5], $0x4000  }
0x71: {  	[sflag:s5] =	ssyncset.done $0x0  }
0x72: {  	[sflag:s5] =	ssyncadd.s32 $0xFFFFC000  }
0x73: {  	[spmem:s2] =	stream.indirect.scatter.add.f32 [tilespmem:s25], [sflag:$0x4], $0x80, s30, s0, $0xb8;
	[tilespmem:$0x1B980] =	vst v63  }
0x74: {  	s7 =	sadd.s32 $0x20000, s21;
	s8 =	simm.s32 $0x800;
	_ =	swait.ge [sflag:s1], $0x4000  }
0x75: {  	s4 =	sadd.s32 $0x20000, s23;
	s19 =	simm.s32 $0x400;
	[sflag:s1] =	ssyncset.done $0x0  }
.LBB2_4:
0x76: {  	s9 =	sadd.s32 s19, s22  }
0x77: {  	[sflag:s1] =	ssyncadd.s32 $0xFFFFC000;
	s10 =	smov.u32 s8;
	s14 =	sadd.s32 $0x400, s8  }
0x78: {  	[tilespmem:s30], [sflag:$0x2] =	stream.linear.gather [hbm4b:s9+s3], $0x80, $0x38;
	[tilespmem:$0x1B980] =	vst v63  }
0x79: {  	p4 =	sne.s32 s8, $0x9400  }
0x7a: {  	[tilespmem:s25], [sflag:$0x2] =	stream.linear.gather [hbm4b:s7+s3], $0x4000, $0x38;
	[tilespmem:$0x1B980] =	vst v63  }
0x7b: {  	_ =	swait.ge [sflag:s31], $0x80  }
0x7c: {  	[sflag:s31] =	ssyncset.done $0x0  }
0x7d: {  	[sflag:s31] =	ssyncadd.s32 $0xFFFFFF80  }
0x7e: {  	_ =	swait.ge [sflag:s31], $0x4000  }
0x7f: {  	[sflag:s31] =	ssyncset.done $0x0  }
0x80: {  	[sflag:s31] =	ssyncadd.s32 $0xFFFFC000  }
0x81: {  	[spmem:s2] =	stream.indirect.scatter.add.f32 [tilespmem:s28], [sflag:$0x4], $0x80, s26, s0, $0xb8;
	[tilespmem:$0x1B980] =	vst v63  }
0x82: {  	_ =	swait.ge [sflag:s1], $0x4000  }
0x83: {  	[sflag:s1] =	ssyncset.done $0x0  }
0x84: {  	s8 =	sadd.s32 s19, s24;
	s19 =	smov.u32 s10;
	[sflag:s1] =	ssyncadd.s32 $0xFFFFC000  }
0x85: {  	[tilespmem:s26], [sflag:$0x1] =	stream.linear.gather [hbm4b:s8+s3], $0x80, $0x38;
	[tilespmem:$0x1B980] =	vst v63  }
0x86: {  	_ = 	snop  }
0x87: {  	[tilespmem:s28], [sflag:$0x1] =	stream.linear.gather [hbm4b:s4+s3], $0x4000, $0x38;
	[tilespmem:$0x1B980] =	vst v63  }
0x88: {  	_ =	swait.ge [sflag:s5], $0x80  }
0x89: {  	[sflag:s5] =	ssyncset.done $0x0  }
0x8a: {  	[sflag:s5] =	ssyncadd.s32 $0xFFFFFF80  }
0x8b: {  	_ =	swait.ge [sflag:s5], $0x4000  }
.Ltmp3:
0x8c: {  	[sflag:s5] =	ssyncset.done $0x0;
	(pc) =	sbr.rel @p4 .LBB2_4-.Ltmp3, $4  }
0x8d: {  	[sflag:s5] =	ssyncadd.s32 $0xFFFFC000  }
0x8e: {  	[spmem:s2] =	stream.indirect.scatter.add.f32 [tilespmem:s25], [sflag:$0x4], $0x80, s30, s0, $0xb8;
	[tilespmem:$0x1B980] =	vst v63  }
0x8f: {  	s7 =	sadd.s32 $0x20000, s7;
	_ =	swait.ge [sflag:s1], $0x4000  }
0x90: {  	s8 =	smov.u32 s14;
	s4 =	sadd.s32 $0x20000, s4;
	[sflag:s1] =	ssyncset.done $0x0  }
0x91: {  	s8 =	sadd.s32 s19, s22;
	[sflag:s1] =	ssyncadd.s32 $0xFFFFC000  }
0x92: {  	[tilespmem:s30], [sflag:$0x2] =	stream.linear.gather [hbm4b:s8+s3], $0x80, $0x38;
	[tilespmem:$0x1B980] =	vst v63  }
0x93: {  	_ = 	snop  }
0x94: {  	[tilespmem:s25], [sflag:$0x2] =	stream.linear.gather [hbm4b:s7+s3], $0x4000, $0x38;
	[tilespmem:$0x1B980] =	vst v63  }
0x95: {  	_ =	swait.ge [sflag:s31], $0x80  }
0x96: {  	[sflag:s31] =	ssyncset.done $0x0  }
0x97: {  	[sflag:s31] =	ssyncadd.s32 $0xFFFFFF80  }
0x98: {  	_ =	swait.ge [sflag:s31], $0x4000  }
0x99: {  	[sflag:s31] =	ssyncset.done $0x0  }
0x9a: {  	[sflag:s31] =	ssyncadd.s32 $0xFFFFC000  }
0x9b: {  	[spmem:s2] =	stream.indirect.scatter.add.f32 [tilespmem:s28], [sflag:$0x4], $0x80, s26, s0, $0xb8;
	[tilespmem:$0x1B980] =	vst v63  }
0x9c: {  	_ =	swait.ge [sflag:s1], $0x4000  }
0x9d: {  	[sflag:s1] =	ssyncset.done $0x0  }
0x9e: {  	s10 =	sadd.s32 s19, s24;
	[sflag:s1] =	ssyncadd.s32 $0xFFFFC000  }
0x9f: {  	[tilespmem:s26], [sflag:$0x1] =	stream.linear.gather [hbm4b:s10+s3], $0x80, $0x38;
	[tilespmem:$0x1B980] =	vst v63  }
0xa0: {  	_ = 	snop  }
0xa1: {  	[tilespmem:s28], [sflag:$0x1] =	stream.linear.gather [hbm4b:s4+s3], $0x4000, $0x38;
	[tilespmem:$0x1B980] =	vst v63  }
0xa2: {  	_ =	swait.ge [sflag:s5], $0x80  }
0xa3: {  	[sflag:s5] =	ssyncset.done $0x0  }
0xa4: {  	[sflag:s5] =	ssyncadd.s32 $0xFFFFFF80  }
0xa5: {  	_ =	swait.ge [sflag:s5], $0x4000  }
0xa6: {  	[sflag:s5] =	ssyncset.done $0x0  }
0xa7: {  	[sflag:s5] =	ssyncadd.s32 $0xFFFFC000  }
0xa8: {  	[spmem:s2] =	stream.indirect.scatter.add.f32 [tilespmem:s25], [sflag:$0x4], $0x80, s30, s0, $0xb8;
	[tilespmem:$0x1B980] =	vst v63  }
0xa9: {  	_ =	swait.ge [sflag:s1], $0x4000  }
0xaa: {  	[sflag:s1] =	ssyncset.done $0x0  }
0xab: {  	s14 =	rddreg [dreg:$0xb];
	[sflag:s1] =	ssyncadd.s32 $0xFFFFC000  }
0xac: {  	[tilespmem:s30], [sflag:$0x2] =	stream.linear.gather [hbm4b:s14+s3], $0x80, $0x38;
	[tilespmem:$0x1B980] =	vst v63  }
0xad: {  	_ = 	snop  }
0xae: {  	[tilespmem:s25], [sflag:$0x2] =	stream.linear.gather [hbm4b:s15+s3], $0x4000, $0x38;
	[tilespmem:$0x1B980] =	vst v63  }
0xaf: {  	_ =	swait.ge [sflag:s31], $0x80  }
0xb0: {  	[sflag:s31] =	ssyncset.done $0x0  }
0xb1: {  	[sflag:s31] =	ssyncadd.s32 $0xFFFFFF80  }
0xb2: {  	_ =	swait.ge [sflag:s31], $0x4000  }
0xb3: {  	[sflag:s31] =	ssyncset.done $0x0  }
0xb4: {  	[sflag:s31] =	ssyncadd.s32 $0xFFFFC000  }
0xb5: {  	[spmem:s2] =	stream.indirect.scatter.add.f32 [tilespmem:s28], [sflag:$0x4], $0x80, s26, s0, $0xb8;
	[tilespmem:$0x1B980] =	vst v63  }
0xb6: {  	_ =	swait.ge [sflag:s1], $0x4000  }
0xb7: {  	[sflag:s1] =	ssyncset.done $0x0  }
0xb8: {  	s4 =	simm.s32 @p2 $0x2;
	[sflag:s1] =	ssyncadd.s32 $0xFFFFC000  }
0xb9: {  	_ =	swait.ge @p2 [sflag:s4], $0x80  }
0xba: {  	[sflag:s4] =	ssyncset.done @p2 $0x0  }
0xbb: {  	[sflag:s4] =	ssyncadd.s32 @p2 $0xFFFFFF80  }
0xbc: {  	_ =	swait.ge @p2 [sflag:s4], $0x4000  }
0xbd: {  	s8 =	simm.s32 @p2 $0x17980;
	[sflag:s4] =	ssyncset.done @p2 $0x0  }
0xbe: {  	s7 =	simm.s32 @p2 $0x13900;
	[sflag:s4] =	ssyncadd.s32 @p2 $0xFFFFC000;
	s4 =	simm.s32 @p2 $0x80  }
0xbf: {  	[spmem:s2] =	stream.indirect.scatter.add.f32 @p2 [tilespmem:s8], [sflag:$0x4], $0x80, s7, s4, $0xb8;
	[tilespmem:$0x1B980] =	vst v63  }
0xc0: {  	s4 =	simm.s32 @!p2 $0x0;
	s7 =	simm.s32 @!p2 $0x13880  }
0xc1: {  	[tilespmem:s7], [sflag:$0x1] =	stream.linear.gather @!p2 [hbm4b:s16+s4], $0x80, $0x38;
	[tilespmem:$0x1B980] =	vst v63  }
0xc2: {  	s8 =	simm.s32 @!p2 $0x13980  }
0xc3: {  	[tilespmem:s8], [sflag:$0x1] =	stream.linear.gather @!p2 [hbm4b:s17+s4], $0x4000, $0x38;
	[tilespmem:$0x1B980] =	vst v63  }
0xc4: {  	s4 =	simm.s32 @!p2 $0x2  }
0xc5: {  	_ =	swait.ge @!p2 [sflag:s4], $0x80  }
0xc6: {  	[sflag:s4] =	ssyncset.done @!p2 $0x0  }
0xc7: {  	[sflag:s4] =	ssyncadd.s32 @!p2 $0xFFFFFF80  }
0xc8: {  	_ =	swait.ge @!p2 [sflag:s4], $0x4000  }
0xc9: {  	s9 =	simm.s32 @!p2 $0x13900;
	[sflag:s4] =	ssyncset.done @!p2 $0x0  }
0xca: {  	s10 =	simm.s32 @!p2 $0x17980;
	[sflag:s4] =	ssyncadd.s32 @!p2 $0xFFFFC000;
	s4 =	simm.s32 @!p2 $0x80  }
0xcb: {  	[spmem:s2] =	stream.indirect.scatter.add.f32 @!p2 [tilespmem:s10], [sflag:$0x4], $0x80, s9, s4, $0xb8;
	[tilespmem:$0x1B980] =	vst v63  }
0xcc: {  	s9 =	simm.s32 @!p2 $0x4  }
0xcd: {  	_ =	swait.ge @!p2 [sflag:s9], $0x4000  }
0xce: {  	[sflag:s9] =	ssyncset.done @!p2 $0x0  }
0xcf: {  	[sflag:s9] =	ssyncadd.s32 @!p2 $0xFFFFC000;
	s9 =	simm.s32 @!p2 $0x1  }
0xd0: {  	_ =	swait.ge @!p2 [sflag:s9], $0x80  }
0xd1: {  	[sflag:s9] =	ssyncset.done @!p2 $0x0  }
0xd2: {  	[sflag:s9] =	ssyncadd.s32 @!p2 $0xFFFFFF80  }
0xd3: {  	_ =	swait.ge @!p2 [sflag:s9], $0x4000  }
0xd4: {  	[sflag:s9] =	ssyncset.done @!p2 $0x0  }
0xd5: {  	[sflag:s9] =	ssyncadd.s32 @!p2 $0xFFFFC000  }
0xd6: {  	[spmem:s2] =	stream.indirect.scatter.add.f32 @!p2 [tilespmem:s8], [sflag:$0x4], $0x80, s7, s4, $0xb8;
	[tilespmem:$0x1B980] =	vst v63  }
.Ltmp4:
0xd7: {  	_ =	swait.ge [sflag:s1], $0x4000;
	(pc) =	sbr.rel @!p0 .LBB2_6-.Ltmp4, $4  }
0xd8: {  	[sflag:s1] =	ssyncset.done $0x0  }
0xd9: {  	s19 =	stileid.u32;
	[sflag:s1] =	ssyncadd.s32 $0xFFFFC000  }
0xda: {  	s8 =	sshll.u32 s19, $0x6;
	[bflag:$0x0] =	sbarrier.arrive $0xFFFF  }
0xdb: {  	s7 =	sshrl.u32 s6, $0x3;
	s4 =	sor.u32 $0x1C04, s8  }
0xdc: {  	s4 =	sor.u32 $0x1C04, s8;
	s19 =	rddreg [dreg:$0xd]  }
0xdd: {  	[hbm:s19], [sflag:s4] =	dma.local [spmem:s7], $0x2700  }
.Ltmp5:
0xde: {  	_ = 	snop;
	(pc) =	sbr.rel @p1 .LBB2_9-.Ltmp5, $4  }
.Ltmp6:
0xdf: {  	_ = 	snop;
	(pc) =	sbr.rel @!p1 .LBB2_8-.Ltmp6, $4  }
0xe0: {  	_ =	swait.ge [sflag:s1], $0x2700  }
0xe1: {  	[sflag:s1] =	ssyncset.done $0x0  }
0xe2: {  	s7 =	rddreg [dreg:$0x6];
	[sflag:s1] =	ssyncadd.s32 $0xFFFFD900  }
0xe3: {  	_ = 	snop  }
.LBB2_6:
0xe4: {  	s8 =	rddreg [dreg:$0xc]  }
0xe5: {  	[hbm:s8], [sflag:s4] =	dma.local [spmem:s7], $0x2700  }
.Ltmp7:
0xe6: {  	_ = 	snop;
	(pc) =	sbr.rel @!p3 .LBB2_9-.Ltmp7, $4  }
.Ltmp8:
0xe7: {  	_ =	swait.ge [sflag:s1], $0x2700;
	(pc) =	sbr.rel @p3 .LBB2_8-.Ltmp8, $4  }
0xe8: {  	[sflag:s1] =	ssyncset.done $0x0  }
0xe9: {  	[sflag:s1] =	ssyncadd.s32 $0xFFFFD900  }
0xea: {  	s7 =	rddreg [dreg:$0x2]  }
0xeb: {  	_ = 	snop  }
.LBB2_10:
0xec: {  	_ =	sfence.sel $0x180000  }
0xed: {  	[bflag:$0x0] =	sbarrier.arrive $0xFFFF  }
0xee: {  	_ =	strace $0x90000047  }
0xef: {  	[bflag:$0x2] =	sbarrier.arrive $0xFFFF  }
0xf0: {  	s0 =	rddreg [dreg:$0x5]  }
0xf1: {  	s0 =	sadd.s32 @!p1 $0x100000, s0  }
0xf2: {  	[sflag:s0] =	ssyncadd.tile.s32 @!p1 $0x1;
	_ =	shalt  }
.Lfunc_end2:
_tile_overlayer_lowered:
.L_overlay_start_2:
0xf3: {  	(tag) =	ssettag $0x2  }
0xf4: {  	s0 =	rddreg [dreg:$0x0];
	s2 =	stileid.u32  }
0xf5: {  	s1 =	rddreg [dreg:$0x1];
	p0 =	sne.s32 s2, $0x0  }
0xf6: {  	s3 =	rddreg [dreg:$0x2];
	[bflag:$0x3] =	sbarrier.arrive $0xFFFF;
	s2 =	simm.s32 @!p0 $0x1C04  }
0xf7: {  	[timem:s3], [sflag:s2] =	dma.local @!p0 [hbm:s0], s1  }
0xf8: {  	s0 =	simm.s32 @!p0 $0x4  }
0xf9: {  	_ =	swait.ge @!p0 [sflag:s0], s1  }
0xfa: {  	s1 =	ssub.s32 @!p0 $0x0, s1;
	[sflag:s0] =	ssyncset.done @!p0 $0x0  }
0xfb: {  	[sflag:s0] =	ssyncadd.s32 @!p0 s1  }
0xfc: {  	[bflag:$0x3] =	sbarrier.arrive $0xFFFF  }
0xfd: {  	_ =	shalt  }

</sc_bundles>
